<compile_context>
chip_gen: v7x
topology: tpu7x:2x2x1
jax: 0.10.2.dev20260603
libtpu: 0.0.44.dev20260713+nightly
codegen_flags: <defaults>
</compile_context>

<pallas_src>
import functools

import jax
import jax.numpy as jnp
from jax import lax
from jax.experimental import pallas as pl
from jax.experimental.pallas import tpu as pltpu
from jax.experimental.pallas import tpu_sc as plsc

_NB = 4
_C = 400


def _emb_gather(idx2d, weight, B, D, NC, NS):
    NW = NC * NS
    b_per_w = B // NW
    C = _C
    NB = _NB
    n_chunks = b_per_w // C
    mesh = plsc.VectorSubcoreMesh(core_axis_name="c", subcore_axis_name="s")

    @functools.partial(
        pl.kernel,
        mesh=mesh,
        out_type=jax.ShapeDtypeStruct((B, D), jnp.float32),
        scratch_types=[
            pltpu.VMEM((n_chunks, C), jnp.int32),
            pltpu.VMEM((NB, C, D), jnp.float32),
            pltpu.SemaphoreType.DMA((NB,)),
            pltpu.SemaphoreType.DMA((NB,)),
        ],
        compiler_params=pltpu.CompilerParams(use_tc_tiling_on_sc=False),
    )
    def emb(idx_hbm, table_hbm, out_hbm, idx_v, rows_v, gsem, ssem):
        wid = lax.axis_index("s") * NC + lax.axis_index("c")
        base = wid * b_per_w

        pltpu.sync_copy(idx_hbm.at[pl.ds(wid * n_chunks, n_chunks)], idx_v)

        def start_gather(c, b):
            pltpu.async_copy(table_hbm.at[idx_v.at[c]], rows_v.at[b], gsem.at[b])

        def wait_gather(b):
            pltpu.make_async_copy(
                table_hbm.at[pl.ds(0, C)], rows_v.at[b], gsem.at[b]).wait()

        def start_store(c, b):
            pltpu.async_copy(
                rows_v.at[b], out_hbm.at[pl.ds(base + c * C, C)], ssem.at[b])

        def wait_store(b):
            pltpu.make_async_copy(
                rows_v.at[b], out_hbm.at[pl.ds(base, C)], ssem.at[b]).wait()

        start_gather(0, 0)
        start_gather(1, 1)

        for b in range(NB):
            c = b
            wait_gather(b)
            start_store(c, b)
            if c + 2 < n_chunks:
                if c >= 2:
                    wait_store((b + 2) % NB)
                start_gather(c + 2, (b + 2) % NB)

        def body(k, carry):
            i = k * NB
            for b in range(NB):
                c = i + b
                wait_gather(b)
                start_store(c, b)
                wait_store((b + 2) % NB)
                start_gather(c + 2, (b + 2) % NB)
            return carry

        lax.fori_loop(1, n_chunks // NB - 1, body, 0)

        for b in range(NB):
            c = n_chunks - NB + b
            wait_gather(b)
            start_store(c, b)
            if c + 2 < n_chunks:
                wait_store((b + 2) % NB)
                start_gather(c + 2, (b + 2) % NB)

        for b in range(NB):
            wait_store(b)

    return emb(idx2d, weight)


def kernel(input, weight):
    S0, S1 = input.shape
    D = weight.shape[1]
    B = S0 * S1
    info = plsc.get_sparse_core_info()
    NW = info.num_cores * info.num_subcores
    n_chunks = (B // NW) // _C
    idx2d = input.reshape(NW * n_chunks, _C).astype(jnp.int32)
    out = _emb_gather(idx2d, weight, B, D, info.num_cores, info.num_subcores)
    return out.reshape(S0, S1, D)

# --- scband reference (transcript-rebuilt; emitter-appended) ---
"""Pipeline reference for scband-embedding-layer-6313601925535 (READ-ONLY COPY).

The authoritative reference and input builder live on the scoring server;
editing this copy changes nothing except your own understanding.
"""

import jax, jax.numpy as jnp
import numpy as np


def setup_inputs(seed: int = 0) -> dict:
    key = jax.random.key(seed)
    k1, k2 = jax.random.split(key)
    inp = jax.random.randint(k1, (16384, 50), 0, 1000000, dtype=jnp.int64)
    weight = jax.random.normal(k2, (1000000, 64), dtype=jnp.float32)
    return {"input": inp, "weight": weight}


def reference(input, weight):
    # F.embedding(input, weight) == gather rows of weight by input indices
    return jnp.take(weight, input, axis=0)

if __name__ == "__main__":
    import jax
    _d = setup_inputs()
    print(jax.jit(kernel)(*tuple(_d.values())))

</pallas_src>

<mosaic_0001>
#map = affine_map<(d0, d1) -> (0, 0)>
module attributes {stable_mosaic.version = 14 : i64} {
  func.func @emb(%arg0: i32, %arg1: i32, %arg2: memref<2048x400xi32, #tpu.memory_space<hbm>>, %arg3: memref<1000000x64xf32, #tpu.memory_space<hbm>>, %arg4: memref<819200x64xf32, #tpu.memory_space<hbm>>, %arg5: memref<64x400xi32, #tpu.memory_space<vmem>>, %arg6: memref<4x400x64xf32, #tpu.memory_space<vmem>>, %arg7: memref<4x!tpu.dma_semaphore, #tpu.memory_space<semaphore_mem>>, %arg8: memref<4x!tpu.dma_semaphore, #tpu.memory_space<semaphore_mem>>) attributes {dimension_semantics = [#tpu.dimension_semantics<core_parallel>, #tpu.dimension_semantics<subcore_parallel>], iteration_bounds = array<i64: 2, 16>, scalar_prefetch = 0 : i64, scratch_operands = 4 : i64, tpu.core_type = #tpu.core_type<sc_vector_subcore>, window_params = [{transform_indices = #map}, {transform_indices = #map}, {transform_indices = #map}]} {
    %mul3A = arith.constant 2 : i32
    %mul3A_0 = arith.muli %arg1, %mul3A : i32
    %add3A = arith.addi %mul3A_0, %arg0 : i32
    %mul3A_1 = arith.constant 25600 : i32
    %mul3A_2 = arith.muli %add3A, %mul3A_1 : i32
    %mul3A_3 = arith.constant 64 : i32
    %mul3A_4 = arith.muli %add3A, %mul3A_3 : i32
    "tpu.region"() ({
      %run_scoped3A = tpu.sem_alloc : memref<!tpu.dma_semaphore, #tpu.memory_space<semaphore_mem>>
      %dma_start3A_544 = arith.constant 0 : i32
      %dma_start3A_545 = tpu.memref_slice %arg2[%mul3A_4, %dma_start3A_544] : memref<2048x400xi32, #tpu.memory_space<hbm>> -> memref<64x400xi32, #tpu.memory_space<hbm>>
      %dma_start3A_546 = arith.constant 0 : i32
      %dma_start3A_547 = tpu.memref_slice %arg2[%mul3A_4, %dma_start3A_546] : memref<2048x400xi32, #tpu.memory_space<hbm>> -> memref<64x400xi32, #tpu.memory_space<hbm>>
      tpu.enqueue_dma source(%dma_start3A_547 : memref<64x400xi32, #tpu.memory_space<hbm>>) target(%arg5 : memref<64x400xi32, #tpu.memory_space<vmem>>) target_semaphore(%run_scoped3A : memref<!tpu.dma_semaphore, #tpu.memory_space<semaphore_mem>>)
      %dma_wait3A_548 = arith.constant 0 : i32
      %dma_wait3A_549 = tpu.memref_slice %arg2[%mul3A_4, %dma_wait3A_548] : memref<2048x400xi32, #tpu.memory_space<hbm>> -> memref<64x400xi32, #tpu.memory_space<hbm>>
      %dma_wait3A_550 = arith.constant 0 : i32
      %dma_wait3A_551 = tpu.memref_slice %arg2[%mul3A_4, %dma_wait3A_550] : memref<2048x400xi32, #tpu.memory_space<hbm>> -> memref<64x400xi32, #tpu.memory_space<hbm>>
      tpu.wait_dma2 semaphore(%run_scoped3A : memref<!tpu.dma_semaphore, #tpu.memory_space<semaphore_mem>>) src(%dma_wait3A_551 : memref<64x400xi32, #tpu.memory_space<hbm>>) dst(%arg5 : memref<64x400xi32, #tpu.memory_space<vmem>>)
      tpu.yield
    }) : () -> ()
    %dma_start3A = arith.constant 0 : i32
    %dma_start3A_5 = arith.constant 0 : i32
    %dma_start3A_6 = arith.constant 0 : i32
    %dma_start3A_7 = arith.constant 0 : i32
    %dma_start3A_8 = arith.constant 0 : i32
    %dma_start3A_9 = tpu.memref_slice %arg6[%dma_start3A_5, %dma_start3A_7, %dma_start3A_8] : memref<4x400x64xf32, #tpu.memory_space<vmem>> -> memref<1x400x64xf32, #tpu.memory_space<vmem>>
    %dma_start3A_10 = tpu.memref_squeeze %dma_start3A_9 : memref<1x400x64xf32, #tpu.memory_space<vmem>> -> memref<400x64xf32, #tpu.memory_space<vmem>>
    %dma_start3A_11 = arith.constant 0 : i32
    %dma_start3A_12 = tpu.memref_slice %arg5[%dma_start3A, %dma_start3A_11] : memref<64x400xi32, #tpu.memory_space<vmem>> -> memref<1x400xi32, #tpu.memory_space<vmem>>
    %dma_start3A_13 = tpu.memref_squeeze %dma_start3A_12 : memref<1x400xi32, #tpu.memory_space<vmem>> -> memref<400xi32, #tpu.memory_space<vmem>>
    %dma_start3A_14 = arith.constant 0 : i32
    %dma_start3A_15 = arith.constant 0 : i32
    %dma_start3A_16 = tpu.memref_slice %arg3[%dma_start3A_14, %dma_start3A_15] : memref<1000000x64xf32, #tpu.memory_space<hbm>> -> memref<1000000x64xf32, #tpu.memory_space<hbm>>
    %dma_start3A_17 = tpu.memref_slice %arg7[%dma_start3A_6] : memref<4x!tpu.dma_semaphore, #tpu.memory_space<semaphore_mem>> -> memref<1x!tpu.dma_semaphore, #tpu.memory_space<semaphore_mem>>
    %dma_start3A_18 = tpu.memref_squeeze %dma_start3A_17 : memref<1x!tpu.dma_semaphore, #tpu.memory_space<semaphore_mem>> -> memref<!tpu.dma_semaphore, #tpu.memory_space<semaphore_mem>>
    tpu.enqueue_indirect_dma source(%dma_start3A_16 : memref<1000000x64xf32, #tpu.memory_space<hbm>>) target(%dma_start3A_10 : memref<400x64xf32, #tpu.memory_space<vmem>>) offsets(%dma_start3A_13 : memref<400xi32, #tpu.memory_space<vmem>>) semaphore(%dma_start3A_18 : memref<!tpu.dma_semaphore, #tpu.memory_space<semaphore_mem>>)
    %dma_start3A_19 = arith.constant 1 : i32
    %dma_start3A_20 = arith.constant 1 : i32
    %dma_start3A_21 = arith.constant 1 : i32
    %dma_start3A_22 = arith.constant 0 : i32
    %dma_start3A_23 = arith.constant 0 : i32
    %dma_start3A_24 = tpu.memref_slice %arg6[%dma_start3A_20, %dma_start3A_22, %dma_start3A_23] : memref<4x400x64xf32, #tpu.memory_space<vmem>> -> memref<1x400x64xf32, #tpu.memory_space<vmem>>
    %dma_start3A_25 = tpu.memref_squeeze %dma_start3A_24 : memref<1x400x64xf32, #tpu.memory_space<vmem>> -> memref<400x64xf32, #tpu.memory_space<vmem>>
    %dma_start3A_26 = arith.constant 0 : i32
    %dma_start3A_27 = tpu.memref_slice %arg5[%dma_start3A_19, %dma_start3A_26] : memref<64x400xi32, #tpu.memory_space<vmem>> -> memref<1x400xi32, #tpu.memory_space<vmem>>
    %dma_start3A_28 = tpu.memref_squeeze %dma_start3A_27 : memref<1x400xi32, #tpu.memory_space<vmem>> -> memref<400xi32, #tpu.memory_space<vmem>>
    %dma_start3A_29 = arith.constant 0 : i32
    %dma_start3A_30 = arith.constant 0 : i32
    %dma_start3A_31 = tpu.memref_slice %arg3[%dma_start3A_29, %dma_start3A_30] : memref<1000000x64xf32, #tpu.memory_space<hbm>> -> memref<1000000x64xf32, #tpu.memory_space<hbm>>
    %dma_start3A_32 = tpu.memref_slice %arg7[%dma_start3A_21] : memref<4x!tpu.dma_semaphore, #tpu.memory_space<semaphore_mem>> -> memref<1x!tpu.dma_semaphore, #tpu.memory_space<semaphore_mem>>
    %dma_start3A_33 = tpu.memref_squeeze %dma_start3A_32 : memref<1x!tpu.dma_semaphore, #tpu.memory_space<semaphore_mem>> -> memref<!tpu.dma_semaphore, #tpu.memory_space<semaphore_mem>>
    tpu.enqueue_indirect_dma source(%dma_start3A_31 : memref<1000000x64xf32, #tpu.memory_space<hbm>>) target(%dma_start3A_25 : memref<400x64xf32, #tpu.memory_space<vmem>>) offsets(%dma_start3A_28 : memref<400xi32, #tpu.memory_space<vmem>>) semaphore(%dma_start3A_33 : memref<!tpu.dma_semaphore, #tpu.memory_space<semaphore_mem>>)
    %dma_wait3A = arith.constant 0 : i32
    %dma_wait3A_34 = arith.constant 0 : i32
    %dma_wait3A_35 = arith.constant 0 : i32
    %dma_wait3A_36 = arith.constant 0 : i32
    %dma_wait3A_37 = tpu.memref_slice %arg6[%dma_wait3A, %dma_wait3A_35, %dma_wait3A_36] : memref<4x400x64xf32, #tpu.memory_space<vmem>> -> memref<1x400x64xf32, #tpu.memory_space<vmem>>
    %dma_wait3A_38 = tpu.memref_squeeze %dma_wait3A_37 : memref<1x400x64xf32, #tpu.memory_space<vmem>> -> memref<400x64xf32, #tpu.memory_space<vmem>>
    %dma_wait3A_39 = arith.constant 0 : i32
    %dma_wait3A_40 = arith.constant 0 : i32
    %dma_wait3A_41 = tpu.memref_slice %arg3[%dma_wait3A_39, %dma_wait3A_40] : memref<1000000x64xf32, #tpu.memory_space<hbm>> -> memref<400x64xf32, #tpu.memory_space<hbm>>
    %dma_wait3A_42 = tpu.memref_slice %arg7[%dma_wait3A_34] : memref<4x!tpu.dma_semaphore, #tpu.memory_space<semaphore_mem>> -> memref<1x!tpu.dma_semaphore, #tpu.memory_space<semaphore_mem>>
    %dma_wait3A_43 = tpu.memref_squeeze %dma_wait3A_42 : memref<1x!tpu.dma_semaphore, #tpu.memory_space<semaphore_mem>> -> memref<!tpu.dma_semaphore, #tpu.memory_space<semaphore_mem>>
    %dma_wait3A_44 = arith.constant 0 : i32
    %dma_wait3A_45 = arith.constant 0 : i32
    %dma_wait3A_46 = tpu.memref_slice %arg6[%dma_wait3A, %dma_wait3A_44, %dma_wait3A_45] : memref<4x400x64xf32, #tpu.memory_space<vmem>> -> memref<1x400x64xf32, #tpu.memory_space<vmem>>
    %dma_wait3A_47 = tpu.memref_squeeze %dma_wait3A_46 : memref<1x400x64xf32, #tpu.memory_space<vmem>> -> memref<400x64xf32, #tpu.memory_space<vmem>>
    %dma_wait3A_48 = arith.constant 0 : i32
    %dma_wait3A_49 = arith.constant 0 : i32
    %dma_wait3A_50 = tpu.memref_slice %arg3[%dma_wait3A_48, %dma_wait3A_49] : memref<1000000x64xf32, #tpu.memory_space<hbm>> -> memref<400x64xf32, #tpu.memory_space<hbm>>
    tpu.wait_dma2 semaphore(%dma_wait3A_43 : memref<!tpu.dma_semaphore, #tpu.memory_space<semaphore_mem>>) src(%dma_wait3A_50 : memref<400x64xf32, #tpu.memory_space<hbm>>) dst(%dma_wait3A_47 : memref<400x64xf32, #tpu.memory_space<vmem>>)
    %add3A_51 = arith.constant 0 : i32
    %add3A_52 = arith.addi %mul3A_2, %add3A_51 : i32
    %dma_start3A_53 = arith.constant 0 : i32
    %dma_start3A_54 = arith.constant 0 : i32
    %dma_start3A_55 = arith.constant 0 : i32
    %dma_start3A_56 = arith.constant 0 : i32
    %dma_start3A_57 = tpu.memref_slice %arg6[%dma_start3A_53, %dma_start3A_55, %dma_start3A_56] : memref<4x400x64xf32, #tpu.memory_space<vmem>> -> memref<1x400x64xf32, #tpu.memory_space<vmem>>
    %dma_start3A_58 = tpu.memref_squeeze %dma_start3A_57 : memref<1x400x64xf32, #tpu.memory_space<vmem>> -> memref<400x64xf32, #tpu.memory_space<vmem>>
    %dma_start3A_59 = arith.constant 0 : i32
    %dma_start3A_60 = tpu.memref_slice %arg4[%add3A_52, %dma_start3A_59] : memref<819200x64xf32, #tpu.memory_space<hbm>> -> memref<400x64xf32, #tpu.memory_space<hbm>>
    %dma_start3A_61 = tpu.memref_slice %arg8[%dma_start3A_54] : memref<4x!tpu.dma_semaphore, #tpu.memory_space<semaphore_mem>> -> memref<1x!tpu.dma_semaphore, #tpu.memory_space<semaphore_mem>>
    %dma_start3A_62 = tpu.memref_squeeze %dma_start3A_61 : memref<1x!tpu.dma_semaphore, #tpu.memory_space<semaphore_mem>> -> memref<!tpu.dma_semaphore, #tpu.memory_space<semaphore_mem>>
    %dma_start3A_63 = arith.constant 0 : i32
    %dma_start3A_64 = tpu.memref_slice %arg4[%add3A_52, %dma_start3A_63] : memref<819200x64xf32, #tpu.memory_space<hbm>> -> memref<400x64xf32, #tpu.memory_space<hbm>>
    %dma_start3A_65 = arith.constant 0 : i32
    %dma_start3A_66 = arith.constant 0 : i32
    %dma_start3A_67 = tpu.memref_slice %arg6[%dma_start3A_53, %dma_start3A_65, %dma_start3A_66] : memref<4x400x64xf32, #tpu.memory_space<vmem>> -> memref<1x400x64xf32, #tpu.memory_space<vmem>>
    %dma_start3A_68 = tpu.memref_squeeze %dma_start3A_67 : memref<1x400x64xf32, #tpu.memory_space<vmem>> -> memref<400x64xf32, #tpu.memory_space<vmem>>
    tpu.enqueue_dma source(%dma_start3A_68 : memref<400x64xf32, #tpu.memory_space<vmem>>) target(%dma_start3A_64 : memref<400x64xf32, #tpu.memory_space<hbm>>) target_semaphore(%dma_start3A_62 : memref<!tpu.dma_semaphore, #tpu.memory_space<semaphore_mem>>)
    %dma_start3A_69 = arith.constant 2 : i32
    %dma_start3A_70 = arith.constant 2 : i32
    %dma_start3A_71 = arith.constant 2 : i32
    %dma_start3A_72 = arith.constant 0 : i32
    %dma_start3A_73 = arith.constant 0 : i32
    %dma_start3A_74 = tpu.memref_slice %arg6[%dma_start3A_70, %dma_start3A_72, %dma_start3A_73] : memref<4x400x64xf32, #tpu.memory_space<vmem>> -> memref<1x400x64xf32, #tpu.memory_space<vmem>>
    %dma_start3A_75 = tpu.memref_squeeze %dma_start3A_74 : memref<1x400x64xf32, #tpu.memory_space<vmem>> -> memref<400x64xf32, #tpu.memory_space<vmem>>
    %dma_start3A_76 = arith.constant 0 : i32
    %dma_start3A_77 = tpu.memref_slice %arg5[%dma_start3A_69, %dma_start3A_76] : memref<64x400xi32, #tpu.memory_space<vmem>> -> memref<1x400xi32, #tpu.memory_space<vmem>>
    %dma_start3A_78 = tpu.memref_squeeze %dma_start3A_77 : memref<1x400xi32, #tpu.memory_space<vmem>> -> memref<400xi32, #tpu.memory_space<vmem>>
    %dma_start3A_79 = arith.constant 0 : i32
    %dma_start3A_80 = arith.constant 0 : i32
    %dma_start3A_81 = tpu.memref_slice %arg3[%dma_start3A_79, %dma_start3A_80] : memref<1000000x64xf32, #tpu.memory_space<hbm>> -> memref<1000000x64xf32, #tpu.memory_space<hbm>>
    %dma_start3A_82 = tpu.memref_slice %arg7[%dma_start3A_71] : memref<4x!tpu.dma_semaphore, #tpu.memory_space<semaphore_mem>> -> memref<1x!tpu.dma_semaphore, #tpu.memory_space<semaphore_mem>>
    %dma_start3A_83 = tpu.memref_squeeze %dma_start3A_82 : memref<1x!tpu.dma_semaphore, #tpu.memory_space<semaphore_mem>> -> memref<!tpu.dma_semaphore, #tpu.memory_space<semaphore_mem>>
    tpu.enqueue_indirect_dma source(%dma_start3A_81 : memref<1000000x64xf32, #tpu.memory_space<hbm>>) target(%dma_start3A_75 : memref<400x64xf32, #tpu.memory_space<vmem>>) offsets(%dma_start3A_78 : memref<400xi32, #tpu.memory_space<vmem>>) semaphore(%dma_start3A_83 : memref<!tpu.dma_semaphore, #tpu.memory_space<semaphore_mem>>)
    %dma_wait3A_84 = arith.constant 1 : i32
    %dma_wait3A_85 = arith.constant 1 : i32
    %dma_wait3A_86 = arith.constant 0 : i32
    %dma_wait3A_87 = arith.constant 0 : i32
    %dma_wait3A_88 = tpu.memref_slice %arg6[%dma_wait3A_84, %dma_wait3A_86, %dma_wait3A_87] : memref<4x400x64xf32, #tpu.memory_space<vmem>> -> memref<1x400x64xf32, #tpu.memory_space<vmem>>
    %dma_wait3A_89 = tpu.memref_squeeze %dma_wait3A_88 : memref<1x400x64xf32, #tpu.memory_space<vmem>> -> memref<400x64xf32, #tpu.memory_space<vmem>>
    %dma_wait3A_90 = arith.constant 0 : i32
    %dma_wait3A_91 = arith.constant 0 : i32
    %dma_wait3A_92 = tpu.memref_slice %arg3[%dma_wait3A_90, %dma_wait3A_91] : memref<1000000x64xf32, #tpu.memory_space<hbm>> -> memref<400x64xf32, #tpu.memory_space<hbm>>
    %dma_wait3A_93 = tpu.memref_slice %arg7[%dma_wait3A_85] : memref<4x!tpu.dma_semaphore, #tpu.memory_space<semaphore_mem>> -> memref<1x!tpu.dma_semaphore, #tpu.memory_space<semaphore_mem>>
    %dma_wait3A_94 = tpu.memref_squeeze %dma_wait3A_93 : memref<1x!tpu.dma_semaphore, #tpu.memory_space<semaphore_mem>> -> memref<!tpu.dma_semaphore, #tpu.memory_space<semaphore_mem>>
    %dma_wait3A_95 = arith.constant 0 : i32
    %dma_wait3A_96 = arith.constant 0 : i32
    %dma_wait3A_97 = tpu.memref_slice %arg6[%dma_wait3A_84, %dma_wait3A_95, %dma_wait3A_96] : memref<4x400x64xf32, #tpu.memory_space<vmem>> -> memref<1x400x64xf32, #tpu.memory_space<vmem>>
    %dma_wait3A_98 = tpu.memref_squeeze %dma_wait3A_97 : memref<1x400x64xf32, #tpu.memory_space<vmem>> -> memref<400x64xf32, #tpu.memory_space<vmem>>
    %dma_wait3A_99 = arith.constant 0 : i32
    %dma_wait3A_100 = arith.constant 0 : i32
    %dma_wait3A_101 = tpu.memref_slice %arg3[%dma_wait3A_99, %dma_wait3A_100] : memref<1000000x64xf32, #tpu.memory_space<hbm>> -> memref<400x64xf32, #tpu.memory_space<hbm>>
    tpu.wait_dma2 semaphore(%dma_wait3A_94 : memref<!tpu.dma_semaphore, #tpu.memory_space<semaphore_mem>>) src(%dma_wait3A_101 : memref<400x64xf32, #tpu.memory_space<hbm>>) dst(%dma_wait3A_98 : memref<400x64xf32, #tpu.memory_space<vmem>>)
    %add3A_102 = arith.constant 400 : i32
    %add3A_103 = arith.addi %mul3A_2, %add3A_102 : i32
    %dma_start3A_104 = arith.constant 1 : i32
    %dma_start3A_105 = arith.constant 1 : i32
    %dma_start3A_106 = arith.constant 0 : i32
    %dma_start3A_107 = arith.constant 0 : i32
    %dma_start3A_108 = tpu.memref_slice %arg6[%dma_start3A_104, %dma_start3A_106, %dma_start3A_107] : memref<4x400x64xf32, #tpu.memory_space<vmem>> -> memref<1x400x64xf32, #tpu.memory_space<vmem>>
    %dma_start3A_109 = tpu.memref_squeeze %dma_start3A_108 : memref<1x400x64xf32, #tpu.memory_space<vmem>> -> memref<400x64xf32, #tpu.memory_space<vmem>>
    %dma_start3A_110 = arith.constant 0 : i32
    %dma_start3A_111 = tpu.memref_slice %arg4[%add3A_103, %dma_start3A_110] : memref<819200x64xf32, #tpu.memory_space<hbm>> -> memref<400x64xf32, #tpu.memory_space<hbm>>
    %dma_start3A_112 = tpu.memref_slice %arg8[%dma_start3A_105] : memref<4x!tpu.dma_semaphore, #tpu.memory_space<semaphore_mem>> -> memref<1x!tpu.dma_semaphore, #tpu.memory_space<semaphore_mem>>
    %dma_start3A_113 = tpu.memref_squeeze %dma_start3A_112 : memref<1x!tpu.dma_semaphore, #tpu.memory_space<semaphore_mem>> -> memref<!tpu.dma_semaphore, #tpu.memory_space<semaphore_mem>>
    %dma_start3A_114 = arith.constant 0 : i32
    %dma_start3A_115 = tpu.memref_slice %arg4[%add3A_103, %dma_start3A_114] : memref<819200x64xf32, #tpu.memory_space<hbm>> -> memref<400x64xf32, #tpu.memory_space<hbm>>
    %dma_start3A_116 = arith.constant 0 : i32
    %dma_start3A_117 = arith.constant 0 : i32
    %dma_start3A_118 = tpu.memref_slice %arg6[%dma_start3A_104, %dma_start3A_116, %dma_start3A_117] : memref<4x400x64xf32, #tpu.memory_space<vmem>> -> memref<1x400x64xf32, #tpu.memory_space<vmem>>
    %dma_start3A_119 = tpu.memref_squeeze %dma_start3A_118 : memref<1x400x64xf32, #tpu.memory_space<vmem>> -> memref<400x64xf32, #tpu.memory_space<vmem>>
    tpu.enqueue_dma source(%dma_start3A_119 : memref<400x64xf32, #tpu.memory_space<vmem>>) target(%dma_start3A_115 : memref<400x64xf32, #tpu.memory_space<hbm>>) target_semaphore(%dma_start3A_113 : memref<!tpu.dma_semaphore, #tpu.memory_space<semaphore_mem>>)
    %dma_start3A_120 = arith.constant 3 : i32
    %dma_start3A_121 = arith.constant 3 : i32
    %dma_start3A_122 = arith.constant 3 : i32
    %dma_start3A_123 = arith.constant 0 : i32
    %dma_start3A_124 = arith.constant 0 : i32
    %dma_start3A_125 = tpu.memref_slice %arg6[%dma_start3A_121, %dma_start3A_123, %dma_start3A_124] : memref<4x400x64xf32, #tpu.memory_space<vmem>> -> memref<1x400x64xf32, #tpu.memory_space<vmem>>
    %dma_start3A_126 = tpu.memref_squeeze %dma_start3A_125 : memref<1x400x64xf32, #tpu.memory_space<vmem>> -> memref<400x64xf32, #tpu.memory_space<vmem>>
    %dma_start3A_127 = arith.constant 0 : i32
    %dma_start3A_128 = tpu.memref_slice %arg5[%dma_start3A_120, %dma_start3A_127] : memref<64x400xi32, #tpu.memory_space<vmem>> -> memref<1x400xi32, #tpu.memory_space<vmem>>
    %dma_start3A_129 = tpu.memref_squeeze %dma_start3A_128 : memref<1x400xi32, #tpu.memory_space<vmem>> -> memref<400xi32, #tpu.memory_space<vmem>>
    %dma_start3A_130 = arith.constant 0 : i32
    %dma_start3A_131 = arith.constant 0 : i32
    %dma_start3A_132 = tpu.memref_slice %arg3[%dma_start3A_130, %dma_start3A_131] : memref<1000000x64xf32, #tpu.memory_space<hbm>> -> memref<1000000x64xf32, #tpu.memory_space<hbm>>
    %dma_start3A_133 = tpu.memref_slice %arg7[%dma_start3A_122] : memref<4x!tpu.dma_semaphore, #tpu.memory_space<semaphore_mem>> -> memref<1x!tpu.dma_semaphore, #tpu.memory_space<semaphore_mem>>
    %dma_start3A_134 = tpu.memref_squeeze %dma_start3A_133 : memref<1x!tpu.dma_semaphore, #tpu.memory_space<semaphore_mem>> -> memref<!tpu.dma_semaphore, #tpu.memory_space<semaphore_mem>>
    tpu.enqueue_indirect_dma source(%dma_start3A_132 : memref<1000000x64xf32, #tpu.memory_space<hbm>>) target(%dma_start3A_126 : memref<400x64xf32, #tpu.memory_space<vmem>>) offsets(%dma_start3A_129 : memref<400xi32, #tpu.memory_space<vmem>>) semaphore(%dma_start3A_134 : memref<!tpu.dma_semaphore, #tpu.memory_space<semaphore_mem>>)
    %dma_wait3A_135 = arith.constant 2 : i32
    %dma_wait3A_136 = arith.constant 2 : i32
    %dma_wait3A_137 = arith.constant 0 : i32
    %dma_wait3A_138 = arith.constant 0 : i32
    %dma_wait3A_139 = tpu.memref_slice %arg6[%dma_wait3A_135, %dma_wait3A_137, %dma_wait3A_138] : memref<4x400x64xf32, #tpu.memory_space<vmem>> -> memref<1x400x64xf32, #tpu.memory_space<vmem>>
    %dma_wait3A_140 = tpu.memref_squeeze %dma_wait3A_139 : memref<1x400x64xf32, #tpu.memory_space<vmem>> -> memref<400x64xf32, #tpu.memory_space<vmem>>
    %dma_wait3A_141 = arith.constant 0 : i32
    %dma_wait3A_142 = arith.constant 0 : i32
    %dma_wait3A_143 = tpu.memref_slice %arg3[%dma_wait3A_141, %dma_wait3A_142] : memref<1000000x64xf32, #tpu.memory_space<hbm>> -> memref<400x64xf32, #tpu.memory_space<hbm>>
    %dma_wait3A_144 = tpu.memref_slice %arg7[%dma_wait3A_136] : memref<4x!tpu.dma_semaphore, #tpu.memory_space<semaphore_mem>> -> memref<1x!tpu.dma_semaphore, #tpu.memory_space<semaphore_mem>>
    %dma_wait3A_145 = tpu.memref_squeeze %dma_wait3A_144 : memref<1x!tpu.dma_semaphore, #tpu.memory_space<semaphore_mem>> -> memref<!tpu.dma_semaphore, #tpu.memory_space<semaphore_mem>>
    %dma_wait3A_146 = arith.constant 0 : i32
    %dma_wait3A_147 = arith.constant 0 : i32
    %dma_wait3A_148 = tpu.memref_slice %arg6[%dma_wait3A_135, %dma_wait3A_146, %dma_wait3A_147] : memref<4x400x64xf32, #tpu.memory_space<vmem>> -> memref<1x400x64xf32, #tpu.memory_space<vmem>>
    %dma_wait3A_149 = tpu.memref_squeeze %dma_wait3A_148 : memref<1x400x64xf32, #tpu.memory_space<vmem>> -> memref<400x64xf32, #tpu.memory_space<vmem>>
    %dma_wait3A_150 = arith.constant 0 : i32
    %dma_wait3A_151 = arith.constant 0 : i32
    %dma_wait3A_152 = tpu.memref_slice %arg3[%dma_wait3A_150, %dma_wait3A_151] : memref<1000000x64xf32, #tpu.memory_space<hbm>> -> memref<400x64xf32, #tpu.memory_space<hbm>>
    tpu.wait_dma2 semaphore(%dma_wait3A_145 : memref<!tpu.dma_semaphore, #tpu.memory_space<semaphore_mem>>) src(%dma_wait3A_152 : memref<400x64xf32, #tpu.memory_space<hbm>>) dst(%dma_wait3A_149 : memref<400x64xf32, #tpu.memory_space<vmem>>)
    %add3A_153 = arith.constant 800 : i32
    %add3A_154 = arith.addi %mul3A_2, %add3A_153 : i32
    %dma_start3A_155 = arith.constant 2 : i32
    %dma_start3A_156 = arith.constant 2 : i32
    %dma_start3A_157 = arith.constant 0 : i32
    %dma_start3A_158 = arith.constant 0 : i32
    %dma_start3A_159 = tpu.memref_slice %arg6[%dma_start3A_155, %dma_start3A_157, %dma_start3A_158] : memref<4x400x64xf32, #tpu.memory_space<vmem>> -> memref<1x400x64xf32, #tpu.memory_space<vmem>>
    %dma_start3A_160 = tpu.memref_squeeze %dma_start3A_159 : memref<1x400x64xf32, #tpu.memory_space<vmem>> -> memref<400x64xf32, #tpu.memory_space<vmem>>
    %dma_start3A_161 = arith.constant 0 : i32
    %dma_start3A_162 = tpu.memref_slice %arg4[%add3A_154, %dma_start3A_161] : memref<819200x64xf32, #tpu.memory_space<hbm>> -> memref<400x64xf32, #tpu.memory_space<hbm>>
    %dma_start3A_163 = tpu.memref_slice %arg8[%dma_start3A_156] : memref<4x!tpu.dma_semaphore, #tpu.memory_space<semaphore_mem>> -> memref<1x!tpu.dma_semaphore, #tpu.memory_space<semaphore_mem>>
    %dma_start3A_164 = tpu.memref_squeeze %dma_start3A_163 : memref<1x!tpu.dma_semaphore, #tpu.memory_space<semaphore_mem>> -> memref<!tpu.dma_semaphore, #tpu.memory_space<semaphore_mem>>
    %dma_start3A_165 = arith.constant 0 : i32
    %dma_start3A_166 = tpu.memref_slice %arg4[%add3A_154, %dma_start3A_165] : memref<819200x64xf32, #tpu.memory_space<hbm>> -> memref<400x64xf32, #tpu.memory_space<hbm>>
    %dma_start3A_167 = arith.constant 0 : i32
    %dma_start3A_168 = arith.constant 0 : i32
    %dma_start3A_169 = tpu.memref_slice %arg6[%dma_start3A_155, %dma_start3A_167, %dma_start3A_168] : memref<4x400x64xf32, #tpu.memory_space<vmem>> -> memref<1x400x64xf32, #tpu.memory_space<vmem>>
    %dma_start3A_170 = tpu.memref_squeeze %dma_start3A_169 : memref<1x400x64xf32, #tpu.memory_space<vmem>> -> memref<400x64xf32, #tpu.memory_space<vmem>>
    tpu.enqueue_dma source(%dma_start3A_170 : memref<400x64xf32, #tpu.memory_space<vmem>>) target(%dma_start3A_166 : memref<400x64xf32, #tpu.memory_space<hbm>>) target_semaphore(%dma_start3A_164 : memref<!tpu.dma_semaphore, #tpu.memory_space<semaphore_mem>>)
    %dma_wait3A_171 = arith.constant 0 : i32
    %dma_wait3A_172 = arith.constant 0 : i32
    %dma_wait3A_173 = arith.constant 0 : i32
    %dma_wait3A_174 = arith.constant 0 : i32
    %dma_wait3A_175 = tpu.memref_slice %arg6[%dma_wait3A_171, %dma_wait3A_173, %dma_wait3A_174] : memref<4x400x64xf32, #tpu.memory_space<vmem>> -> memref<1x400x64xf32, #tpu.memory_space<vmem>>
    %dma_wait3A_176 = tpu.memref_squeeze %dma_wait3A_175 : memref<1x400x64xf32, #tpu.memory_space<vmem>> -> memref<400x64xf32, #tpu.memory_space<vmem>>
    %dma_wait3A_177 = arith.constant 0 : i32
    %dma_wait3A_178 = tpu.memref_slice %arg4[%mul3A_2, %dma_wait3A_177] : memref<819200x64xf32, #tpu.memory_space<hbm>> -> memref<400x64xf32, #tpu.memory_space<hbm>>
    %dma_wait3A_179 = tpu.memref_slice %arg8[%dma_wait3A_172] : memref<4x!tpu.dma_semaphore, #tpu.memory_space<semaphore_mem>> -> memref<1x!tpu.dma_semaphore, #tpu.memory_space<semaphore_mem>>
    %dma_wait3A_180 = tpu.memref_squeeze %dma_wait3A_179 : memref<1x!tpu.dma_semaphore, #tpu.memory_space<semaphore_mem>> -> memref<!tpu.dma_semaphore, #tpu.memory_space<semaphore_mem>>
    %dma_wait3A_181 = arith.constant 0 : i32
    %dma_wait3A_182 = tpu.memref_slice %arg4[%mul3A_2, %dma_wait3A_181] : memref<819200x64xf32, #tpu.memory_space<hbm>> -> memref<400x64xf32, #tpu.memory_space<hbm>>
    %dma_wait3A_183 = arith.constant 0 : i32
    %dma_wait3A_184 = arith.constant 0 : i32
    %dma_wait3A_185 = tpu.memref_slice %arg6[%dma_wait3A_171, %dma_wait3A_183, %dma_wait3A_184] : memref<4x400x64xf32, #tpu.memory_space<vmem>> -> memref<1x400x64xf32, #tpu.memory_space<vmem>>
    %dma_wait3A_186 = tpu.memref_squeeze %dma_wait3A_185 : memref<1x400x64xf32, #tpu.memory_space<vmem>> -> memref<400x64xf32, #tpu.memory_space<vmem>>
    tpu.wait_dma2 semaphore(%dma_wait3A_180 : memref<!tpu.dma_semaphore, #tpu.memory_space<semaphore_mem>>) src(%dma_wait3A_186 : memref<400x64xf32, #tpu.memory_space<vmem>>) dst(%dma_wait3A_182 : memref<400x64xf32, #tpu.memory_space<hbm>>)
    %dma_start3A_187 = arith.constant 4 : i32
    %dma_start3A_188 = arith.constant 0 : i32
    %dma_start3A_189 = arith.constant 0 : i32
    %dma_start3A_190 = arith.constant 0 : i32
    %dma_start3A_191 = arith.constant 0 : i32
    %dma_start3A_192 = tpu.memref_slice %arg6[%dma_start3A_188, %dma_start3A_190, %dma_start3A_191] : memref<4x400x64xf32, #tpu.memory_space<vmem>> -> memref<1x400x64xf32, #tpu.memory_space<vmem>>
    %dma_start3A_193 = tpu.memref_squeeze %dma_start3A_192 : memref<1x400x64xf32, #tpu.memory_space<vmem>> -> memref<400x64xf32, #tpu.memory_space<vmem>>
    %dma_start3A_194 = arith.constant 0 : i32
    %dma_start3A_195 = tpu.memref_slice %arg5[%dma_start3A_187, %dma_start3A_194] : memref<64x400xi32, #tpu.memory_space<vmem>> -> memref<1x400xi32, #tpu.memory_space<vmem>>
    %dma_start3A_196 = tpu.memref_squeeze %dma_start3A_195 : memref<1x400xi32, #tpu.memory_space<vmem>> -> memref<400xi32, #tpu.memory_space<vmem>>
    %dma_start3A_197 = arith.constant 0 : i32
    %dma_start3A_198 = arith.constant 0 : i32
    %dma_start3A_199 = tpu.memref_slice %arg3[%dma_start3A_197, %dma_start3A_198] : memref<1000000x64xf32, #tpu.memory_space<hbm>> -> memref<1000000x64xf32, #tpu.memory_space<hbm>>
    %dma_start3A_200 = tpu.memref_slice %arg7[%dma_start3A_189] : memref<4x!tpu.dma_semaphore, #tpu.memory_space<semaphore_mem>> -> memref<1x!tpu.dma_semaphore, #tpu.memory_space<semaphore_mem>>
    %dma_start3A_201 = tpu.memref_squeeze %dma_start3A_200 : memref<1x!tpu.dma_semaphore, #tpu.memory_space<semaphore_mem>> -> memref<!tpu.dma_semaphore, #tpu.memory_space<semaphore_mem>>
    tpu.enqueue_indirect_dma source(%dma_start3A_199 : memref<1000000x64xf32, #tpu.memory_space<hbm>>) target(%dma_start3A_193 : memref<400x64xf32, #tpu.memory_space<vmem>>) offsets(%dma_start3A_196 : memref<400xi32, #tpu.memory_space<vmem>>) semaphore(%dma_start3A_201 : memref<!tpu.dma_semaphore, #tpu.memory_space<semaphore_mem>>)
    %dma_wait3A_202 = arith.constant 3 : i32
    %dma_wait3A_203 = arith.constant 3 : i32
    %dma_wait3A_204 = arith.constant 0 : i32
    %dma_wait3A_205 = arith.constant 0 : i32
    %dma_wait3A_206 = tpu.memref_slice %arg6[%dma_wait3A_202, %dma_wait3A_204, %dma_wait3A_205] : memref<4x400x64xf32, #tpu.memory_space<vmem>> -> memref<1x400x64xf32, #tpu.memory_space<vmem>>
    %dma_wait3A_207 = tpu.memref_squeeze %dma_wait3A_206 : memref<1x400x64xf32, #tpu.memory_space<vmem>> -> memref<400x64xf32, #tpu.memory_space<vmem>>
    %dma_wait3A_208 = arith.constant 0 : i32
    %dma_wait3A_209 = arith.constant 0 : i32
    %dma_wait3A_210 = tpu.memref_slice %arg3[%dma_wait3A_208, %dma_wait3A_209] : memref<1000000x64xf32, #tpu.memory_space<hbm>> -> memref<400x64xf32, #tpu.memory_space<hbm>>
    %dma_wait3A_211 = tpu.memref_slice %arg7[%dma_wait3A_203] : memref<4x!tpu.dma_semaphore, #tpu.memory_space<semaphore_mem>> -> memref<1x!tpu.dma_semaphore, #tpu.memory_space<semaphore_mem>>
    %dma_wait3A_212 = tpu.memref_squeeze %dma_wait3A_211 : memref<1x!tpu.dma_semaphore, #tpu.memory_space<semaphore_mem>> -> memref<!tpu.dma_semaphore, #tpu.memory_space<semaphore_mem>>
    %dma_wait3A_213 = arith.constant 0 : i32
    %dma_wait3A_214 = arith.constant 0 : i32
    %dma_wait3A_215 = tpu.memref_slice %arg6[%dma_wait3A_202, %dma_wait3A_213, %dma_wait3A_214] : memref<4x400x64xf32, #tpu.memory_space<vmem>> -> memref<1x400x64xf32, #tpu.memory_space<vmem>>
    %dma_wait3A_216 = tpu.memref_squeeze %dma_wait3A_215 : memref<1x400x64xf32, #tpu.memory_space<vmem>> -> memref<400x64xf32, #tpu.memory_space<vmem>>
    %dma_wait3A_217 = arith.constant 0 : i32
    %dma_wait3A_218 = arith.constant 0 : i32
    %dma_wait3A_219 = tpu.memref_slice %arg3[%dma_wait3A_217, %dma_wait3A_218] : memref<1000000x64xf32, #tpu.memory_space<hbm>> -> memref<400x64xf32, #tpu.memory_space<hbm>>
    tpu.wait_dma2 semaphore(%dma_wait3A_212 : memref<!tpu.dma_semaphore, #tpu.memory_space<semaphore_mem>>) src(%dma_wait3A_219 : memref<400x64xf32, #tpu.memory_space<hbm>>) dst(%dma_wait3A_216 : memref<400x64xf32, #tpu.memory_space<vmem>>)
    %add3A_220 = arith.constant 1200 : i32
    %add3A_221 = arith.addi %mul3A_2, %add3A_220 : i32
    %dma_start3A_222 = arith.constant 3 : i32
    %dma_start3A_223 = arith.constant 3 : i32
    %dma_start3A_224 = arith.constant 0 : i32
    %dma_start3A_225 = arith.constant 0 : i32
    %dma_start3A_226 = tpu.memref_slice %arg6[%dma_start3A_222, %dma_start3A_224, %dma_start3A_225] : memref<4x400x64xf32, #tpu.memory_space<vmem>> -> memref<1x400x64xf32, #tpu.memory_space<vmem>>
    %dma_start3A_227 = tpu.memref_squeeze %dma_start3A_226 : memref<1x400x64xf32, #tpu.memory_space<vmem>> -> memref<400x64xf32, #tpu.memory_space<vmem>>
    %dma_start3A_228 = arith.constant 0 : i32
    %dma_start3A_229 = tpu.memref_slice %arg4[%add3A_221, %dma_start3A_228] : memref<819200x64xf32, #tpu.memory_space<hbm>> -> memref<400x64xf32, #tpu.memory_space<hbm>>
    %dma_start3A_230 = tpu.memref_slice %arg8[%dma_start3A_223] : memref<4x!tpu.dma_semaphore, #tpu.memory_space<semaphore_mem>> -> memref<1x!tpu.dma_semaphore, #tpu.memory_space<semaphore_mem>>
    %dma_start3A_231 = tpu.memref_squeeze %dma_start3A_230 : memref<1x!tpu.dma_semaphore, #tpu.memory_space<semaphore_mem>> -> memref<!tpu.dma_semaphore, #tpu.memory_space<semaphore_mem>>
    %dma_start3A_232 = arith.constant 0 : i32
    %dma_start3A_233 = tpu.memref_slice %arg4[%add3A_221, %dma_start3A_232] : memref<819200x64xf32, #tpu.memory_space<hbm>> -> memref<400x64xf32, #tpu.memory_space<hbm>>
    %dma_start3A_234 = arith.constant 0 : i32
    %dma_start3A_235 = arith.constant 0 : i32
    %dma_start3A_236 = tpu.memref_slice %arg6[%dma_start3A_222, %dma_start3A_234, %dma_start3A_235] : memref<4x400x64xf32, #tpu.memory_space<vmem>> -> memref<1x400x64xf32, #tpu.memory_space<vmem>>
    %dma_start3A_237 = tpu.memref_squeeze %dma_start3A_236 : memref<1x400x64xf32, #tpu.memory_space<vmem>> -> memref<400x64xf32, #tpu.memory_space<vmem>>
    tpu.enqueue_dma source(%dma_start3A_237 : memref<400x64xf32, #tpu.memory_space<vmem>>) target(%dma_start3A_233 : memref<400x64xf32, #tpu.memory_space<hbm>>) target_semaphore(%dma_start3A_231 : memref<!tpu.dma_semaphore, #tpu.memory_space<semaphore_mem>>)
    %dma_wait3A_238 = arith.constant 1 : i32
    %dma_wait3A_239 = arith.constant 1 : i32
    %dma_wait3A_240 = arith.constant 0 : i32
    %dma_wait3A_241 = arith.constant 0 : i32
    %dma_wait3A_242 = tpu.memref_slice %arg6[%dma_wait3A_238, %dma_wait3A_240, %dma_wait3A_241] : memref<4x400x64xf32, #tpu.memory_space<vmem>> -> memref<1x400x64xf32, #tpu.memory_space<vmem>>
    %dma_wait3A_243 = tpu.memref_squeeze %dma_wait3A_242 : memref<1x400x64xf32, #tpu.memory_space<vmem>> -> memref<400x64xf32, #tpu.memory_space<vmem>>
    %dma_wait3A_244 = arith.constant 0 : i32
    %dma_wait3A_245 = tpu.memref_slice %arg4[%mul3A_2, %dma_wait3A_244] : memref<819200x64xf32, #tpu.memory_space<hbm>> -> memref<400x64xf32, #tpu.memory_space<hbm>>
    %dma_wait3A_246 = tpu.memref_slice %arg8[%dma_wait3A_239] : memref<4x!tpu.dma_semaphore, #tpu.memory_space<semaphore_mem>> -> memref<1x!tpu.dma_semaphore, #tpu.memory_space<semaphore_mem>>
    %dma_wait3A_247 = tpu.memref_squeeze %dma_wait3A_246 : memref<1x!tpu.dma_semaphore, #tpu.memory_space<semaphore_mem>> -> memref<!tpu.dma_semaphore, #tpu.memory_space<semaphore_mem>>
    %dma_wait3A_248 = arith.constant 0 : i32
    %dma_wait3A_249 = tpu.memref_slice %arg4[%mul3A_2, %dma_wait3A_248] : memref<819200x64xf32, #tpu.memory_space<hbm>> -> memref<400x64xf32, #tpu.memory_space<hbm>>
    %dma_wait3A_250 = arith.constant 0 : i32
    %dma_wait3A_251 = arith.constant 0 : i32
    %dma_wait3A_252 = tpu.memref_slice %arg6[%dma_wait3A_238, %dma_wait3A_250, %dma_wait3A_251] : memref<4x400x64xf32, #tpu.memory_space<vmem>> -> memref<1x400x64xf32, #tpu.memory_space<vmem>>
    %dma_wait3A_253 = tpu.memref_squeeze %dma_wait3A_252 : memref<1x400x64xf32, #tpu.memory_space<vmem>> -> memref<400x64xf32, #tpu.memory_space<vmem>>
    tpu.wait_dma2 semaphore(%dma_wait3A_247 : memref<!tpu.dma_semaphore, #tpu.memory_space<semaphore_mem>>) src(%dma_wait3A_253 : memref<400x64xf32, #tpu.memory_space<vmem>>) dst(%dma_wait3A_249 : memref<400x64xf32, #tpu.memory_space<hbm>>)
    %dma_start3A_254 = arith.constant 5 : i32
    %dma_start3A_255 = arith.constant 1 : i32
    %dma_start3A_256 = arith.constant 1 : i32
    %dma_start3A_257 = arith.constant 0 : i32
    %dma_start3A_258 = arith.constant 0 : i32
    %dma_start3A_259 = tpu.memref_slice %arg6[%dma_start3A_255, %dma_start3A_257, %dma_start3A_258] : memref<4x400x64xf32, #tpu.memory_space<vmem>> -> memref<1x400x64xf32, #tpu.memory_space<vmem>>
    %dma_start3A_260 = tpu.memref_squeeze %dma_start3A_259 : memref<1x400x64xf32, #tpu.memory_space<vmem>> -> memref<400x64xf32, #tpu.memory_space<vmem>>
    %dma_start3A_261 = arith.constant 0 : i32
    %dma_start3A_262 = tpu.memref_slice %arg5[%dma_start3A_254, %dma_start3A_261] : memref<64x400xi32, #tpu.memory_space<vmem>> -> memref<1x400xi32, #tpu.memory_space<vmem>>
    %dma_start3A_263 = tpu.memref_squeeze %dma_start3A_262 : memref<1x400xi32, #tpu.memory_space<vmem>> -> memref<400xi32, #tpu.memory_space<vmem>>
    %dma_start3A_264 = arith.constant 0 : i32
    %dma_start3A_265 = arith.constant 0 : i32
    %dma_start3A_266 = tpu.memref_slice %arg3[%dma_start3A_264, %dma_start3A_265] : memref<1000000x64xf32, #tpu.memory_space<hbm>> -> memref<1000000x64xf32, #tpu.memory_space<hbm>>
    %dma_start3A_267 = tpu.memref_slice %arg7[%dma_start3A_256] : memref<4x!tpu.dma_semaphore, #tpu.memory_space<semaphore_mem>> -> memref<1x!tpu.dma_semaphore, #tpu.memory_space<semaphore_mem>>
    %dma_start3A_268 = tpu.memref_squeeze %dma_start3A_267 : memref<1x!tpu.dma_semaphore, #tpu.memory_space<semaphore_mem>> -> memref<!tpu.dma_semaphore, #tpu.memory_space<semaphore_mem>>
    tpu.enqueue_indirect_dma source(%dma_start3A_266 : memref<1000000x64xf32, #tpu.memory_space<hbm>>) target(%dma_start3A_260 : memref<400x64xf32, #tpu.memory_space<vmem>>) offsets(%dma_start3A_263 : memref<400xi32, #tpu.memory_space<vmem>>) semaphore(%dma_start3A_268 : memref<!tpu.dma_semaphore, #tpu.memory_space<semaphore_mem>>)
    %scan3A = arith.constant 0 : i32
    %scan3A_269 = arith.constant 1 : i32
    %scan3A_270 = arith.constant 14 : i32
    %scan3A_271 = arith.addi %scan3A_269, %scan3A_270 : i32
    %scan3A_272 = arith.constant 1 : i32
    scf.for %scan3A_544 = %scan3A_269 to %scan3A_271 step %scan3A_272  : i32 {
      %mul3A_545 = arith.constant 4 : i32
      %mul3A_546 = arith.muli %scan3A_544, %mul3A_545 : i32
      %add3A_547 = arith.constant 0 : i32
      %add3A_548 = arith.addi %mul3A_546, %add3A_547 : i32
      %dma_wait3A_549 = arith.constant 0 : i32
      %dma_wait3A_550 = arith.constant 0 : i32
      %dma_wait3A_551 = arith.constant 0 : i32
      %dma_wait3A_552 = arith.constant 0 : i32
      %dma_wait3A_553 = tpu.memref_slice %arg6[%dma_wait3A_549, %dma_wait3A_551, %dma_wait3A_552] : memref<4x400x64xf32, #tpu.memory_space<vmem>> -> memref<1x400x64xf32, #tpu.memory_space<vmem>>
      %dma_wait3A_554 = tpu.memref_squeeze %dma_wait3A_553 : memref<1x400x64xf32, #tpu.memory_space<vmem>> -> memref<400x64xf32, #tpu.memory_space<vmem>>
      %dma_wait3A_555 = arith.constant 0 : i32
      %dma_wait3A_556 = arith.constant 0 : i32
      %dma_wait3A_557 = tpu.memref_slice %arg3[%dma_wait3A_555, %dma_wait3A_556] : memref<1000000x64xf32, #tpu.memory_space<hbm>> -> memref<400x64xf32, #tpu.memory_space<hbm>>
      %dma_wait3A_558 = tpu.memref_slice %arg7[%dma_wait3A_550] : memref<4x!tpu.dma_semaphore, #tpu.memory_space<semaphore_mem>> -> memref<1x!tpu.dma_semaphore, #tpu.memory_space<semaphore_mem>>
      %dma_wait3A_559 = tpu.memref_squeeze %dma_wait3A_558 : memref<1x!tpu.dma_semaphore, #tpu.memory_space<semaphore_mem>> -> memref<!tpu.dma_semaphore, #tpu.memory_space<semaphore_mem>>
      %dma_wait3A_560 = arith.constant 0 : i32
      %dma_wait3A_561 = arith.constant 0 : i32
      %dma_wait3A_562 = tpu.memref_slice %arg6[%dma_wait3A_549, %dma_wait3A_560, %dma_wait3A_561] : memref<4x400x64xf32, #tpu.memory_space<vmem>> -> memref<1x400x64xf32, #tpu.memory_space<vmem>>
      %dma_wait3A_563 = tpu.memref_squeeze %dma_wait3A_562 : memref<1x400x64xf32, #tpu.memory_space<vmem>> -> memref<400x64xf32, #tpu.memory_space<vmem>>
      %dma_wait3A_564 = arith.constant 0 : i32
      %dma_wait3A_565 = arith.constant 0 : i32
      %dma_wait3A_566 = tpu.memref_slice %arg3[%dma_wait3A_564, %dma_wait3A_565] : memref<1000000x64xf32, #tpu.memory_space<hbm>> -> memref<400x64xf32, #tpu.memory_space<hbm>>
      tpu.wait_dma2 semaphore(%dma_wait3A_559 : memref<!tpu.dma_semaphore, #tpu.memory_space<semaphore_mem>>) src(%dma_wait3A_566 : memref<400x64xf32, #tpu.memory_space<hbm>>) dst(%dma_wait3A_563 : memref<400x64xf32, #tpu.memory_space<vmem>>)
      %mul3A_567 = arith.constant 400 : i32
      %mul3A_568 = arith.muli %add3A_548, %mul3A_567 : i32
      %add3A_569 = arith.addi %mul3A_2, %mul3A_568 : i32
      %dma_start3A_570 = arith.constant 0 : i32
      %dma_start3A_571 = arith.constant 0 : i32
      %dma_start3A_572 = arith.constant 0 : i32
      %dma_start3A_573 = arith.constant 0 : i32
      %dma_start3A_574 = tpu.memref_slice %arg6[%dma_start3A_570, %dma_start3A_572, %dma_start3A_573] : memref<4x400x64xf32, #tpu.memory_space<vmem>> -> memref<1x400x64xf32, #tpu.memory_space<vmem>>
      %dma_start3A_575 = tpu.memref_squeeze %dma_start3A_574 : memref<1x400x64xf32, #tpu.memory_space<vmem>> -> memref<400x64xf32, #tpu.memory_space<vmem>>
      %dma_start3A_576 = arith.constant 0 : i32
      %dma_start3A_577 = tpu.memref_slice %arg4[%add3A_569, %dma_start3A_576] : memref<819200x64xf32, #tpu.memory_space<hbm>> -> memref<400x64xf32, #tpu.memory_space<hbm>>
      %dma_start3A_578 = tpu.memref_slice %arg8[%dma_start3A_571] : memref<4x!tpu.dma_semaphore, #tpu.memory_space<semaphore_mem>> -> memref<1x!tpu.dma_semaphore, #tpu.memory_space<semaphore_mem>>
      %dma_start3A_579 = tpu.memref_squeeze %dma_start3A_578 : memref<1x!tpu.dma_semaphore, #tpu.memory_space<semaphore_mem>> -> memref<!tpu.dma_semaphore, #tpu.memory_space<semaphore_mem>>
      %dma_start3A_580 = arith.constant 0 : i32
      %dma_start3A_581 = tpu.memref_slice %arg4[%add3A_569, %dma_start3A_580] : memref<819200x64xf32, #tpu.memory_space<hbm>> -> memref<400x64xf32, #tpu.memory_space<hbm>>
      %dma_start3A_582 = arith.constant 0 : i32
      %dma_start3A_583 = arith.constant 0 : i32
      %dma_start3A_584 = tpu.memref_slice %arg6[%dma_start3A_570, %dma_start3A_582, %dma_start3A_583] : memref<4x400x64xf32, #tpu.memory_space<vmem>> -> memref<1x400x64xf32, #tpu.memory_space<vmem>>
      %dma_start3A_585 = tpu.memref_squeeze %dma_start3A_584 : memref<1x400x64xf32, #tpu.memory_space<vmem>> -> memref<400x64xf32, #tpu.memory_space<vmem>>
      tpu.enqueue_dma source(%dma_start3A_585 : memref<400x64xf32, #tpu.memory_space<vmem>>) target(%dma_start3A_581 : memref<400x64xf32, #tpu.memory_space<hbm>>) target_semaphore(%dma_start3A_579 : memref<!tpu.dma_semaphore, #tpu.memory_space<semaphore_mem>>)
      %dma_wait3A_586 = arith.constant 2 : i32
      %dma_wait3A_587 = arith.constant 2 : i32
      %dma_wait3A_588 = arith.constant 0 : i32
      %dma_wait3A_589 = arith.constant 0 : i32
      %dma_wait3A_590 = tpu.memref_slice %arg6[%dma_wait3A_586, %dma_wait3A_588, %dma_wait3A_589] : memref<4x400x64xf32, #tpu.memory_space<vmem>> -> memref<1x400x64xf32, #tpu.memory_space<vmem>>
      %dma_wait3A_591 = tpu.memref_squeeze %dma_wait3A_590 : memref<1x400x64xf32, #tpu.memory_space<vmem>> -> memref<400x64xf32, #tpu.memory_space<vmem>>
      %dma_wait3A_592 = arith.constant 0 : i32
      %dma_wait3A_593 = tpu.memref_slice %arg4[%mul3A_2, %dma_wait3A_592] : memref<819200x64xf32, #tpu.memory_space<hbm>> -> memref<400x64xf32, #tpu.memory_space<hbm>>
      %dma_wait3A_594 = tpu.memref_slice %arg8[%dma_wait3A_587] : memref<4x!tpu.dma_semaphore, #tpu.memory_space<semaphore_mem>> -> memref<1x!tpu.dma_semaphore, #tpu.memory_space<semaphore_mem>>
      %dma_wait3A_595 = tpu.memref_squeeze %dma_wait3A_594 : memref<1x!tpu.dma_semaphore, #tpu.memory_space<semaphore_mem>> -> memref<!tpu.dma_semaphore, #tpu.memory_space<semaphore_mem>>
      %dma_wait3A_596 = arith.constant 0 : i32
      %dma_wait3A_597 = tpu.memref_slice %arg4[%mul3A_2, %dma_wait3A_596] : memref<819200x64xf32, #tpu.memory_space<hbm>> -> memref<400x64xf32, #tpu.memory_space<hbm>>
      %dma_wait3A_598 = arith.constant 0 : i32
      %dma_wait3A_599 = arith.constant 0 : i32
      %dma_wait3A_600 = tpu.memref_slice %arg6[%dma_wait3A_586, %dma_wait3A_598, %dma_wait3A_599] : memref<4x400x64xf32, #tpu.memory_space<vmem>> -> memref<1x400x64xf32, #tpu.memory_space<vmem>>
      %dma_wait3A_601 = tpu.memref_squeeze %dma_wait3A_600 : memref<1x400x64xf32, #tpu.memory_space<vmem>> -> memref<400x64xf32, #tpu.memory_space<vmem>>
      tpu.wait_dma2 semaphore(%dma_wait3A_595 : memref<!tpu.dma_semaphore, #tpu.memory_space<semaphore_mem>>) src(%dma_wait3A_601 : memref<400x64xf32, #tpu.memory_space<vmem>>) dst(%dma_wait3A_597 : memref<400x64xf32, #tpu.memory_space<hbm>>)
      %add3A_602 = arith.constant 2 : i32
      %add3A_603 = arith.addi %add3A_548, %add3A_602 : i32
      %dma_start3A_604 = arith.constant 2 : i32
      %dma_start3A_605 = arith.constant 2 : i32
      %dma_start3A_606 = arith.constant 0 : i32
      %dma_start3A_607 = arith.constant 0 : i32
      %dma_start3A_608 = tpu.memref_slice %arg6[%dma_start3A_604, %dma_start3A_606, %dma_start3A_607] : memref<4x400x64xf32, #tpu.memory_space<vmem>> -> memref<1x400x64xf32, #tpu.memory_space<vmem>>
      %dma_start3A_609 = tpu.memref_squeeze %dma_start3A_608 : memref<1x400x64xf32, #tpu.memory_space<vmem>> -> memref<400x64xf32, #tpu.memory_space<vmem>>
      %dma_start3A_610 = arith.constant 0 : i32
      %dma_start3A_611 = tpu.memref_slice %arg5[%add3A_603, %dma_start3A_610] : memref<64x400xi32, #tpu.memory_space<vmem>> -> memref<1x400xi32, #tpu.memory_space<vmem>>
      %dma_start3A_612 = tpu.memref_squeeze %dma_start3A_611 : memref<1x400xi32, #tpu.memory_space<vmem>> -> memref<400xi32, #tpu.memory_space<vmem>>
      %dma_start3A_613 = arith.constant 0 : i32
      %dma_start3A_614 = arith.constant 0 : i32
      %dma_start3A_615 = tpu.memref_slice %arg3[%dma_start3A_613, %dma_start3A_614] : memref<1000000x64xf32, #tpu.memory_space<hbm>> -> memref<1000000x64xf32, #tpu.memory_space<hbm>>
      %dma_start3A_616 = tpu.memref_slice %arg7[%dma_start3A_605] : memref<4x!tpu.dma_semaphore, #tpu.memory_space<semaphore_mem>> -> memref<1x!tpu.dma_semaphore, #tpu.memory_space<semaphore_mem>>
      %dma_start3A_617 = tpu.memref_squeeze %dma_start3A_616 : memref<1x!tpu.dma_semaphore, #tpu.memory_space<semaphore_mem>> -> memref<!tpu.dma_semaphore, #tpu.memory_space<semaphore_mem>>
      tpu.enqueue_indirect_dma source(%dma_start3A_615 : memref<1000000x64xf32, #tpu.memory_space<hbm>>) target(%dma_start3A_609 : memref<400x64xf32, #tpu.memory_space<vmem>>) offsets(%dma_start3A_612 : memref<400xi32, #tpu.memory_space<vmem>>) semaphore(%dma_start3A_617 : memref<!tpu.dma_semaphore, #tpu.memory_space<semaphore_mem>>)
      %add3A_618 = arith.constant 1 : i32
      %add3A_619 = arith.addi %mul3A_546, %add3A_618 : i32
      %dma_wait3A_620 = arith.constant 1 : i32
      %dma_wait3A_621 = arith.constant 1 : i32
      %dma_wait3A_622 = arith.constant 0 : i32
      %dma_wait3A_623 = arith.constant 0 : i32
      %dma_wait3A_624 = tpu.memref_slice %arg6[%dma_wait3A_620, %dma_wait3A_622, %dma_wait3A_623] : memref<4x400x64xf32, #tpu.memory_space<vmem>> -> memref<1x400x64xf32, #tpu.memory_space<vmem>>
      %dma_wait3A_625 = tpu.memref_squeeze %dma_wait3A_624 : memref<1x400x64xf32, #tpu.memory_space<vmem>> -> memref<400x64xf32, #tpu.memory_space<vmem>>
      %dma_wait3A_626 = arith.constant 0 : i32
      %dma_wait3A_627 = arith.constant 0 : i32
      %dma_wait3A_628 = tpu.memref_slice %arg3[%dma_wait3A_626, %dma_wait3A_627] : memref<1000000x64xf32, #tpu.memory_space<hbm>> -> memref<400x64xf32, #tpu.memory_space<hbm>>
      %dma_wait3A_629 = tpu.memref_slice %arg7[%dma_wait3A_621] : memref<4x!tpu.dma_semaphore, #tpu.memory_space<semaphore_mem>> -> memref<1x!tpu.dma_semaphore, #tpu.memory_space<semaphore_mem>>
      %dma_wait3A_630 = tpu.memref_squeeze %dma_wait3A_629 : memref<1x!tpu.dma_semaphore, #tpu.memory_space<semaphore_mem>> -> memref<!tpu.dma_semaphore, #tpu.memory_space<semaphore_mem>>
      %dma_wait3A_631 = arith.constant 0 : i32
      %dma_wait3A_632 = arith.constant 0 : i32
      %dma_wait3A_633 = tpu.memref_slice %arg6[%dma_wait3A_620, %dma_wait3A_631, %dma_wait3A_632] : memref<4x400x64xf32, #tpu.memory_space<vmem>> -> memref<1x400x64xf32, #tpu.memory_space<vmem>>
      %dma_wait3A_634 = tpu.memref_squeeze %dma_wait3A_633 : memref<1x400x64xf32, #tpu.memory_space<vmem>> -> memref<400x64xf32, #tpu.memory_space<vmem>>
      %dma_wait3A_635 = arith.constant 0 : i32
      %dma_wait3A_636 = arith.constant 0 : i32
      %dma_wait3A_637 = tpu.memref_slice %arg3[%dma_wait3A_635, %dma_wait3A_636] : memref<1000000x64xf32, #tpu.memory_space<hbm>> -> memref<400x64xf32, #tpu.memory_space<hbm>>
      tpu.wait_dma2 semaphore(%dma_wait3A_630 : memref<!tpu.dma_semaphore, #tpu.memory_space<semaphore_mem>>) src(%dma_wait3A_637 : memref<400x64xf32, #tpu.memory_space<hbm>>) dst(%dma_wait3A_634 : memref<400x64xf32, #tpu.memory_space<vmem>>)
      %mul3A_638 = arith.constant 400 : i32
      %mul3A_639 = arith.muli %add3A_619, %mul3A_638 : i32
      %add3A_640 = arith.addi %mul3A_2, %mul3A_639 : i32
      %dma_start3A_641 = arith.constant 1 : i32
      %dma_start3A_642 = arith.constant 1 : i32
      %dma_start3A_643 = arith.constant 0 : i32
      %dma_start3A_644 = arith.constant 0 : i32
      %dma_start3A_645 = tpu.memref_slice %arg6[%dma_start3A_641, %dma_start3A_643, %dma_start3A_644] : memref<4x400x64xf32, #tpu.memory_space<vmem>> -> memref<1x400x64xf32, #tpu.memory_space<vmem>>
      %dma_start3A_646 = tpu.memref_squeeze %dma_start3A_645 : memref<1x400x64xf32, #tpu.memory_space<vmem>> -> memref<400x64xf32, #tpu.memory_space<vmem>>
      %dma_start3A_647 = arith.constant 0 : i32
      %dma_start3A_648 = tpu.memref_slice %arg4[%add3A_640, %dma_start3A_647] : memref<819200x64xf32, #tpu.memory_space<hbm>> -> memref<400x64xf32, #tpu.memory_space<hbm>>
      %dma_start3A_649 = tpu.memref_slice %arg8[%dma_start3A_642] : memref<4x!tpu.dma_semaphore, #tpu.memory_space<semaphore_mem>> -> memref<1x!tpu.dma_semaphore, #tpu.memory_space<semaphore_mem>>
      %dma_start3A_650 = tpu.memref_squeeze %dma_start3A_649 : memref<1x!tpu.dma_semaphore, #tpu.memory_space<semaphore_mem>> -> memref<!tpu.dma_semaphore, #tpu.memory_space<semaphore_mem>>
      %dma_start3A_651 = arith.constant 0 : i32
      %dma_start3A_652 = tpu.memref_slice %arg4[%add3A_640, %dma_start3A_651] : memref<819200x64xf32, #tpu.memory_space<hbm>> -> memref<400x64xf32, #tpu.memory_space<hbm>>
      %dma_start3A_653 = arith.constant 0 : i32
      %dma_start3A_654 = arith.constant 0 : i32
      %dma_start3A_655 = tpu.memref_slice %arg6[%dma_start3A_641, %dma_start3A_653, %dma_start3A_654] : memref<4x400x64xf32, #tpu.memory_space<vmem>> -> memref<1x400x64xf32, #tpu.memory_space<vmem>>
      %dma_start3A_656 = tpu.memref_squeeze %dma_start3A_655 : memref<1x400x64xf32, #tpu.memory_space<vmem>> -> memref<400x64xf32, #tpu.memory_space<vmem>>
      tpu.enqueue_dma source(%dma_start3A_656 : memref<400x64xf32, #tpu.memory_space<vmem>>) target(%dma_start3A_652 : memref<400x64xf32, #tpu.memory_space<hbm>>) target_semaphore(%dma_start3A_650 : memref<!tpu.dma_semaphore, #tpu.memory_space<semaphore_mem>>)
      %dma_wait3A_657 = arith.constant 3 : i32
      %dma_wait3A_658 = arith.constant 3 : i32
      %dma_wait3A_659 = arith.constant 0 : i32
      %dma_wait3A_660 = arith.constant 0 : i32
      %dma_wait3A_661 = tpu.memref_slice %arg6[%dma_wait3A_657, %dma_wait3A_659, %dma_wait3A_660] : memref<4x400x64xf32, #tpu.memory_space<vmem>> -> memref<1x400x64xf32, #tpu.memory_space<vmem>>
      %dma_wait3A_662 = tpu.memref_squeeze %dma_wait3A_661 : memref<1x400x64xf32, #tpu.memory_space<vmem>> -> memref<400x64xf32, #tpu.memory_space<vmem>>
      %dma_wait3A_663 = arith.constant 0 : i32
      %dma_wait3A_664 = tpu.memref_slice %arg4[%mul3A_2, %dma_wait3A_663] : memref<819200x64xf32, #tpu.memory_space<hbm>> -> memref<400x64xf32, #tpu.memory_space<hbm>>
      %dma_wait3A_665 = tpu.memref_slice %arg8[%dma_wait3A_658] : memref<4x!tpu.dma_semaphore, #tpu.memory_space<semaphore_mem>> -> memref<1x!tpu.dma_semaphore, #tpu.memory_space<semaphore_mem>>
      %dma_wait3A_666 = tpu.memref_squeeze %dma_wait3A_665 : memref<1x!tpu.dma_semaphore, #tpu.memory_space<semaphore_mem>> -> memref<!tpu.dma_semaphore, #tpu.memory_space<semaphore_mem>>
      %dma_wait3A_667 = arith.constant 0 : i32
      %dma_wait3A_668 = tpu.memref_slice %arg4[%mul3A_2, %dma_wait3A_667] : memref<819200x64xf32, #tpu.memory_space<hbm>> -> memref<400x64xf32, #tpu.memory_space<hbm>>
      %dma_wait3A_669 = arith.constant 0 : i32
      %dma_wait3A_670 = arith.constant 0 : i32
      %dma_wait3A_671 = tpu.memref_slice %arg6[%dma_wait3A_657, %dma_wait3A_669, %dma_wait3A_670] : memref<4x400x64xf32, #tpu.memory_space<vmem>> -> memref<1x400x64xf32, #tpu.memory_space<vmem>>
      %dma_wait3A_672 = tpu.memref_squeeze %dma_wait3A_671 : memref<1x400x64xf32, #tpu.memory_space<vmem>> -> memref<400x64xf32, #tpu.memory_space<vmem>>
      tpu.wait_dma2 semaphore(%dma_wait3A_666 : memref<!tpu.dma_semaphore, #tpu.memory_space<semaphore_mem>>) src(%dma_wait3A_672 : memref<400x64xf32, #tpu.memory_space<vmem>>) dst(%dma_wait3A_668 : memref<400x64xf32, #tpu.memory_space<hbm>>)
      %add3A_673 = arith.constant 2 : i32
      %add3A_674 = arith.addi %add3A_619, %add3A_673 : i32
      %dma_start3A_675 = arith.constant 3 : i32
      %dma_start3A_676 = arith.constant 3 : i32
      %dma_start3A_677 = arith.constant 0 : i32
      %dma_start3A_678 = arith.constant 0 : i32
      %dma_start3A_679 = tpu.memref_slice %arg6[%dma_start3A_675, %dma_start3A_677, %dma_start3A_678] : memref<4x400x64xf32, #tpu.memory_space<vmem>> -> memref<1x400x64xf32, #tpu.memory_space<vmem>>
      %dma_start3A_680 = tpu.memref_squeeze %dma_start3A_679 : memref<1x400x64xf32, #tpu.memory_space<vmem>> -> memref<400x64xf32, #tpu.memory_space<vmem>>
      %dma_start3A_681 = arith.constant 0 : i32
      %dma_start3A_682 = tpu.memref_slice %arg5[%add3A_674, %dma_start3A_681] : memref<64x400xi32, #tpu.memory_space<vmem>> -> memref<1x400xi32, #tpu.memory_space<vmem>>
      %dma_start3A_683 = tpu.memref_squeeze %dma_start3A_682 : memref<1x400xi32, #tpu.memory_space<vmem>> -> memref<400xi32, #tpu.memory_space<vmem>>
      %dma_start3A_684 = arith.constant 0 : i32
      %dma_start3A_685 = arith.constant 0 : i32
      %dma_start3A_686 = tpu.memref_slice %arg3[%dma_start3A_684, %dma_start3A_685] : memref<1000000x64xf32, #tpu.memory_space<hbm>> -> memref<1000000x64xf32, #tpu.memory_space<hbm>>
      %dma_start3A_687 = tpu.memref_slice %arg7[%dma_start3A_676] : memref<4x!tpu.dma_semaphore, #tpu.memory_space<semaphore_mem>> -> memref<1x!tpu.dma_semaphore, #tpu.memory_space<semaphore_mem>>
      %dma_start3A_688 = tpu.memref_squeeze %dma_start3A_687 : memref<1x!tpu.dma_semaphore, #tpu.memory_space<semaphore_mem>> -> memref<!tpu.dma_semaphore, #tpu.memory_space<semaphore_mem>>
      tpu.enqueue_indirect_dma source(%dma_start3A_686 : memref<1000000x64xf32, #tpu.memory_space<hbm>>) target(%dma_start3A_680 : memref<400x64xf32, #tpu.memory_space<vmem>>) offsets(%dma_start3A_683 : memref<400xi32, #tpu.memory_space<vmem>>) semaphore(%dma_start3A_688 : memref<!tpu.dma_semaphore, #tpu.memory_space<semaphore_mem>>)
      %add3A_689 = arith.constant 2 : i32
      %add3A_690 = arith.addi %mul3A_546, %add3A_689 : i32
      %dma_wait3A_691 = arith.constant 2 : i32
      %dma_wait3A_692 = arith.constant 2 : i32
      %dma_wait3A_693 = arith.constant 0 : i32
      %dma_wait3A_694 = arith.constant 0 : i32
      %dma_wait3A_695 = tpu.memref_slice %arg6[%dma_wait3A_691, %dma_wait3A_693, %dma_wait3A_694] : memref<4x400x64xf32, #tpu.memory_space<vmem>> -> memref<1x400x64xf32, #tpu.memory_space<vmem>>
      %dma_wait3A_696 = tpu.memref_squeeze %dma_wait3A_695 : memref<1x400x64xf32, #tpu.memory_space<vmem>> -> memref<400x64xf32, #tpu.memory_space<vmem>>
      %dma_wait3A_697 = arith.constant 0 : i32
      %dma_wait3A_698 = arith.constant 0 : i32
      %dma_wait3A_699 = tpu.memref_slice %arg3[%dma_wait3A_697, %dma_wait3A_698] : memref<1000000x64xf32, #tpu.memory_space<hbm>> -> memref<400x64xf32, #tpu.memory_space<hbm>>
      %dma_wait3A_700 = tpu.memref_slice %arg7[%dma_wait3A_692] : memref<4x!tpu.dma_semaphore, #tpu.memory_space<semaphore_mem>> -> memref<1x!tpu.dma_semaphore, #tpu.memory_space<semaphore_mem>>
      %dma_wait3A_701 = tpu.memref_squeeze %dma_wait3A_700 : memref<1x!tpu.dma_semaphore, #tpu.memory_space<semaphore_mem>> -> memref<!tpu.dma_semaphore, #tpu.memory_space<semaphore_mem>>
      %dma_wait3A_702 = arith.constant 0 : i32
      %dma_wait3A_703 = arith.constant 0 : i32
      %dma_wait3A_704 = tpu.memref_slice %arg6[%dma_wait3A_691, %dma_wait3A_702, %dma_wait3A_703] : memref<4x400x64xf32, #tpu.memory_space<vmem>> -> memref<1x400x64xf32, #tpu.memory_space<vmem>>
      %dma_wait3A_705 = tpu.memref_squeeze %dma_wait3A_704 : memref<1x400x64xf32, #tpu.memory_space<vmem>> -> memref<400x64xf32, #tpu.memory_space<vmem>>
      %dma_wait3A_706 = arith.constant 0 : i32
      %dma_wait3A_707 = arith.constant 0 : i32
      %dma_wait3A_708 = tpu.memref_slice %arg3[%dma_wait3A_706, %dma_wait3A_707] : memref<1000000x64xf32, #tpu.memory_space<hbm>> -> memref<400x64xf32, #tpu.memory_space<hbm>>
      tpu.wait_dma2 semaphore(%dma_wait3A_701 : memref<!tpu.dma_semaphore, #tpu.memory_space<semaphore_mem>>) src(%dma_wait3A_708 : memref<400x64xf32, #tpu.memory_space<hbm>>) dst(%dma_wait3A_705 : memref<400x64xf32, #tpu.memory_space<vmem>>)
      %mul3A_709 = arith.constant 400 : i32
      %mul3A_710 = arith.muli %add3A_690, %mul3A_709 : i32
      %add3A_711 = arith.addi %mul3A_2, %mul3A_710 : i32
      %dma_start3A_712 = arith.constant 2 : i32
      %dma_start3A_713 = arith.constant 2 : i32
      %dma_start3A_714 = arith.constant 0 : i32
      %dma_start3A_715 = arith.constant 0 : i32
      %dma_start3A_716 = tpu.memref_slice %arg6[%dma_start3A_712, %dma_start3A_714, %dma_start3A_715] : memref<4x400x64xf32, #tpu.memory_space<vmem>> -> memref<1x400x64xf32, #tpu.memory_space<vmem>>
      %dma_start3A_717 = tpu.memref_squeeze %dma_start3A_716 : memref<1x400x64xf32, #tpu.memory_space<vmem>> -> memref<400x64xf32, #tpu.memory_space<vmem>>
      %dma_start3A_718 = arith.constant 0 : i32
      %dma_start3A_719 = tpu.memref_slice %arg4[%add3A_711, %dma_start3A_718] : memref<819200x64xf32, #tpu.memory_space<hbm>> -> memref<400x64xf32, #tpu.memory_space<hbm>>
      %dma_start3A_720 = tpu.memref_slice %arg8[%dma_start3A_713] : memref<4x!tpu.dma_semaphore, #tpu.memory_space<semaphore_mem>> -> memref<1x!tpu.dma_semaphore, #tpu.memory_space<semaphore_mem>>
      %dma_start3A_721 = tpu.memref_squeeze %dma_start3A_720 : memref<1x!tpu.dma_semaphore, #tpu.memory_space<semaphore_mem>> -> memref<!tpu.dma_semaphore, #tpu.memory_space<semaphore_mem>>
      %dma_start3A_722 = arith.constant 0 : i32
      %dma_start3A_723 = tpu.memref_slice %arg4[%add3A_711, %dma_start3A_722] : memref<819200x64xf32, #tpu.memory_space<hbm>> -> memref<400x64xf32, #tpu.memory_space<hbm>>
      %dma_start3A_724 = arith.constant 0 : i32
      %dma_start3A_725 = arith.constant 0 : i32
      %dma_start3A_726 = tpu.memref_slice %arg6[%dma_start3A_712, %dma_start3A_724, %dma_start3A_725] : memref<4x400x64xf32, #tpu.memory_space<vmem>> -> memref<1x400x64xf32, #tpu.memory_space<vmem>>
      %dma_start3A_727 = tpu.memref_squeeze %dma_start3A_726 : memref<1x400x64xf32, #tpu.memory_space<vmem>> -> memref<400x64xf32, #tpu.memory_space<vmem>>
      tpu.enqueue_dma source(%dma_start3A_727 : memref<400x64xf32, #tpu.memory_space<vmem>>) target(%dma_start3A_723 : memref<400x64xf32, #tpu.memory_space<hbm>>) target_semaphore(%dma_start3A_721 : memref<!tpu.dma_semaphore, #tpu.memory_space<semaphore_mem>>)
      %dma_wait3A_728 = arith.constant 0 : i32
      %dma_wait3A_729 = arith.constant 0 : i32
      %dma_wait3A_730 = arith.constant 0 : i32
      %dma_wait3A_731 = arith.constant 0 : i32
      %dma_wait3A_732 = tpu.memref_slice %arg6[%dma_wait3A_728, %dma_wait3A_730, %dma_wait3A_731] : memref<4x400x64xf32, #tpu.memory_space<vmem>> -> memref<1x400x64xf32, #tpu.memory_space<vmem>>
      %dma_wait3A_733 = tpu.memref_squeeze %dma_wait3A_732 : memref<1x400x64xf32, #tpu.memory_space<vmem>> -> memref<400x64xf32, #tpu.memory_space<vmem>>
      %dma_wait3A_734 = arith.constant 0 : i32
      %dma_wait3A_735 = tpu.memref_slice %arg4[%mul3A_2, %dma_wait3A_734] : memref<819200x64xf32, #tpu.memory_space<hbm>> -> memref<400x64xf32, #tpu.memory_space<hbm>>
      %dma_wait3A_736 = tpu.memref_slice %arg8[%dma_wait3A_729] : memref<4x!tpu.dma_semaphore, #tpu.memory_space<semaphore_mem>> -> memref<1x!tpu.dma_semaphore, #tpu.memory_space<semaphore_mem>>
      %dma_wait3A_737 = tpu.memref_squeeze %dma_wait3A_736 : memref<1x!tpu.dma_semaphore, #tpu.memory_space<semaphore_mem>> -> memref<!tpu.dma_semaphore, #tpu.memory_space<semaphore_mem>>
      %dma_wait3A_738 = arith.constant 0 : i32
      %dma_wait3A_739 = tpu.memref_slice %arg4[%mul3A_2, %dma_wait3A_738] : memref<819200x64xf32, #tpu.memory_space<hbm>> -> memref<400x64xf32, #tpu.memory_space<hbm>>
      %dma_wait3A_740 = arith.constant 0 : i32
      %dma_wait3A_741 = arith.constant 0 : i32
      %dma_wait3A_742 = tpu.memref_slice %arg6[%dma_wait3A_728, %dma_wait3A_740, %dma_wait3A_741] : memref<4x400x64xf32, #tpu.memory_space<vmem>> -> memref<1x400x64xf32, #tpu.memory_space<vmem>>
      %dma_wait3A_743 = tpu.memref_squeeze %dma_wait3A_742 : memref<1x400x64xf32, #tpu.memory_space<vmem>> -> memref<400x64xf32, #tpu.memory_space<vmem>>
      tpu.wait_dma2 semaphore(%dma_wait3A_737 : memref<!tpu.dma_semaphore, #tpu.memory_space<semaphore_mem>>) src(%dma_wait3A_743 : memref<400x64xf32, #tpu.memory_space<vmem>>) dst(%dma_wait3A_739 : memref<400x64xf32, #tpu.memory_space<hbm>>)
      %add3A_744 = arith.constant 2 : i32
      %add3A_745 = arith.addi %add3A_690, %add3A_744 : i32
      %dma_start3A_746 = arith.constant 0 : i32
      %dma_start3A_747 = arith.constant 0 : i32
      %dma_start3A_748 = arith.constant 0 : i32
      %dma_start3A_749 = arith.constant 0 : i32
      %dma_start3A_750 = tpu.memref_slice %arg6[%dma_start3A_746, %dma_start3A_748, %dma_start3A_749] : memref<4x400x64xf32, #tpu.memory_space<vmem>> -> memref<1x400x64xf32, #tpu.memory_space<vmem>>
      %dma_start3A_751 = tpu.memref_squeeze %dma_start3A_750 : memref<1x400x64xf32, #tpu.memory_space<vmem>> -> memref<400x64xf32, #tpu.memory_space<vmem>>
      %dma_start3A_752 = arith.constant 0 : i32
      %dma_start3A_753 = tpu.memref_slice %arg5[%add3A_745, %dma_start3A_752] : memref<64x400xi32, #tpu.memory_space<vmem>> -> memref<1x400xi32, #tpu.memory_space<vmem>>
      %dma_start3A_754 = tpu.memref_squeeze %dma_start3A_753 : memref<1x400xi32, #tpu.memory_space<vmem>> -> memref<400xi32, #tpu.memory_space<vmem>>
      %dma_start3A_755 = arith.constant 0 : i32
      %dma_start3A_756 = arith.constant 0 : i32
      %dma_start3A_757 = tpu.memref_slice %arg3[%dma_start3A_755, %dma_start3A_756] : memref<1000000x64xf32, #tpu.memory_space<hbm>> -> memref<1000000x64xf32, #tpu.memory_space<hbm>>
      %dma_start3A_758 = tpu.memref_slice %arg7[%dma_start3A_747] : memref<4x!tpu.dma_semaphore, #tpu.memory_space<semaphore_mem>> -> memref<1x!tpu.dma_semaphore, #tpu.memory_space<semaphore_mem>>
      %dma_start3A_759 = tpu.memref_squeeze %dma_start3A_758 : memref<1x!tpu.dma_semaphore, #tpu.memory_space<semaphore_mem>> -> memref<!tpu.dma_semaphore, #tpu.memory_space<semaphore_mem>>
      tpu.enqueue_indirect_dma source(%dma_start3A_757 : memref<1000000x64xf32, #tpu.memory_space<hbm>>) target(%dma_start3A_751 : memref<400x64xf32, #tpu.memory_space<vmem>>) offsets(%dma_start3A_754 : memref<400xi32, #tpu.memory_space<vmem>>) semaphore(%dma_start3A_759 : memref<!tpu.dma_semaphore, #tpu.memory_space<semaphore_mem>>)
      %add3A_760 = arith.constant 3 : i32
      %add3A_761 = arith.addi %mul3A_546, %add3A_760 : i32
      %dma_wait3A_762 = arith.constant 3 : i32
      %dma_wait3A_763 = arith.constant 3 : i32
      %dma_wait3A_764 = arith.constant 0 : i32
      %dma_wait3A_765 = arith.constant 0 : i32
      %dma_wait3A_766 = tpu.memref_slice %arg6[%dma_wait3A_762, %dma_wait3A_764, %dma_wait3A_765] : memref<4x400x64xf32, #tpu.memory_space<vmem>> -> memref<1x400x64xf32, #tpu.memory_space<vmem>>
      %dma_wait3A_767 = tpu.memref_squeeze %dma_wait3A_766 : memref<1x400x64xf32, #tpu.memory_space<vmem>> -> memref<400x64xf32, #tpu.memory_space<vmem>>
      %dma_wait3A_768 = arith.constant 0 : i32
      %dma_wait3A_769 = arith.constant 0 : i32
      %dma_wait3A_770 = tpu.memref_slice %arg3[%dma_wait3A_768, %dma_wait3A_769] : memref<1000000x64xf32, #tpu.memory_space<hbm>> -> memref<400x64xf32, #tpu.memory_space<hbm>>
      %dma_wait3A_771 = tpu.memref_slice %arg7[%dma_wait3A_763] : memref<4x!tpu.dma_semaphore, #tpu.memory_space<semaphore_mem>> -> memref<1x!tpu.dma_semaphore, #tpu.memory_space<semaphore_mem>>
      %dma_wait3A_772 = tpu.memref_squeeze %dma_wait3A_771 : memref<1x!tpu.dma_semaphore, #tpu.memory_space<semaphore_mem>> -> memref<!tpu.dma_semaphore, #tpu.memory_space<semaphore_mem>>
      %dma_wait3A_773 = arith.constant 0 : i32
      %dma_wait3A_774 = arith.constant 0 : i32
      %dma_wait3A_775 = tpu.memref_slice %arg6[%dma_wait3A_762, %dma_wait3A_773, %dma_wait3A_774] : memref<4x400x64xf32, #tpu.memory_space<vmem>> -> memref<1x400x64xf32, #tpu.memory_space<vmem>>
      %dma_wait3A_776 = tpu.memref_squeeze %dma_wait3A_775 : memref<1x400x64xf32, #tpu.memory_space<vmem>> -> memref<400x64xf32, #tpu.memory_space<vmem>>
      %dma_wait3A_777 = arith.constant 0 : i32
      %dma_wait3A_778 = arith.constant 0 : i32
      %dma_wait3A_779 = tpu.memref_slice %arg3[%dma_wait3A_777, %dma_wait3A_778] : memref<1000000x64xf32, #tpu.memory_space<hbm>> -> memref<400x64xf32, #tpu.memory_space<hbm>>
      tpu.wait_dma2 semaphore(%dma_wait3A_772 : memref<!tpu.dma_semaphore, #tpu.memory_space<semaphore_mem>>) src(%dma_wait3A_779 : memref<400x64xf32, #tpu.memory_space<hbm>>) dst(%dma_wait3A_776 : memref<400x64xf32, #tpu.memory_space<vmem>>)
      %mul3A_780 = arith.constant 400 : i32
      %mul3A_781 = arith.muli %add3A_761, %mul3A_780 : i32
      %add3A_782 = arith.addi %mul3A_2, %mul3A_781 : i32
      %dma_start3A_783 = arith.constant 3 : i32
      %dma_start3A_784 = arith.constant 3 : i32
      %dma_start3A_785 = arith.constant 0 : i32
      %dma_start3A_786 = arith.constant 0 : i32
      %dma_start3A_787 = tpu.memref_slice %arg6[%dma_start3A_783, %dma_start3A_785, %dma_start3A_786] : memref<4x400x64xf32, #tpu.memory_space<vmem>> -> memref<1x400x64xf32, #tpu.memory_space<vmem>>
      %dma_start3A_788 = tpu.memref_squeeze %dma_start3A_787 : memref<1x400x64xf32, #tpu.memory_space<vmem>> -> memref<400x64xf32, #tpu.memory_space<vmem>>
      %dma_start3A_789 = arith.constant 0 : i32
      %dma_start3A_790 = tpu.memref_slice %arg4[%add3A_782, %dma_start3A_789] : memref<819200x64xf32, #tpu.memory_space<hbm>> -> memref<400x64xf32, #tpu.memory_space<hbm>>
      %dma_start3A_791 = tpu.memref_slice %arg8[%dma_start3A_784] : memref<4x!tpu.dma_semaphore, #tpu.memory_space<semaphore_mem>> -> memref<1x!tpu.dma_semaphore, #tpu.memory_space<semaphore_mem>>
      %dma_start3A_792 = tpu.memref_squeeze %dma_start3A_791 : memref<1x!tpu.dma_semaphore, #tpu.memory_space<semaphore_mem>> -> memref<!tpu.dma_semaphore, #tpu.memory_space<semaphore_mem>>
      %dma_start3A_793 = arith.constant 0 : i32
      %dma_start3A_794 = tpu.memref_slice %arg4[%add3A_782, %dma_start3A_793] : memref<819200x64xf32, #tpu.memory_space<hbm>> -> memref<400x64xf32, #tpu.memory_space<hbm>>
      %dma_start3A_795 = arith.constant 0 : i32
      %dma_start3A_796 = arith.constant 0 : i32
      %dma_start3A_797 = tpu.memref_slice %arg6[%dma_start3A_783, %dma_start3A_795, %dma_start3A_796] : memref<4x400x64xf32, #tpu.memory_space<vmem>> -> memref<1x400x64xf32, #tpu.memory_space<vmem>>
      %dma_start3A_798 = tpu.memref_squeeze %dma_start3A_797 : memref<1x400x64xf32, #tpu.memory_space<vmem>> -> memref<400x64xf32, #tpu.memory_space<vmem>>
      tpu.enqueue_dma source(%dma_start3A_798 : memref<400x64xf32, #tpu.memory_space<vmem>>) target(%dma_start3A_794 : memref<400x64xf32, #tpu.memory_space<hbm>>) target_semaphore(%dma_start3A_792 : memref<!tpu.dma_semaphore, #tpu.memory_space<semaphore_mem>>)
      %dma_wait3A_799 = arith.constant 1 : i32
      %dma_wait3A_800 = arith.constant 1 : i32
      %dma_wait3A_801 = arith.constant 0 : i32
      %dma_wait3A_802 = arith.constant 0 : i32
      %dma_wait3A_803 = tpu.memref_slice %arg6[%dma_wait3A_799, %dma_wait3A_801, %dma_wait3A_802] : memref<4x400x64xf32, #tpu.memory_space<vmem>> -> memref<1x400x64xf32, #tpu.memory_space<vmem>>
      %dma_wait3A_804 = tpu.memref_squeeze %dma_wait3A_803 : memref<1x400x64xf32, #tpu.memory_space<vmem>> -> memref<400x64xf32, #tpu.memory_space<vmem>>
      %dma_wait3A_805 = arith.constant 0 : i32
      %dma_wait3A_806 = tpu.memref_slice %arg4[%mul3A_2, %dma_wait3A_805] : memref<819200x64xf32, #tpu.memory_space<hbm>> -> memref<400x64xf32, #tpu.memory_space<hbm>>
      %dma_wait3A_807 = tpu.memref_slice %arg8[%dma_wait3A_800] : memref<4x!tpu.dma_semaphore, #tpu.memory_space<semaphore_mem>> -> memref<1x!tpu.dma_semaphore, #tpu.memory_space<semaphore_mem>>
      %dma_wait3A_808 = tpu.memref_squeeze %dma_wait3A_807 : memref<1x!tpu.dma_semaphore, #tpu.memory_space<semaphore_mem>> -> memref<!tpu.dma_semaphore, #tpu.memory_space<semaphore_mem>>
      %dma_wait3A_809 = arith.constant 0 : i32
      %dma_wait3A_810 = tpu.memref_slice %arg4[%mul3A_2, %dma_wait3A_809] : memref<819200x64xf32, #tpu.memory_space<hbm>> -> memref<400x64xf32, #tpu.memory_space<hbm>>
      %dma_wait3A_811 = arith.constant 0 : i32
      %dma_wait3A_812 = arith.constant 0 : i32
      %dma_wait3A_813 = tpu.memref_slice %arg6[%dma_wait3A_799, %dma_wait3A_811, %dma_wait3A_812] : memref<4x400x64xf32, #tpu.memory_space<vmem>> -> memref<1x400x64xf32, #tpu.memory_space<vmem>>
      %dma_wait3A_814 = tpu.memref_squeeze %dma_wait3A_813 : memref<1x400x64xf32, #tpu.memory_space<vmem>> -> memref<400x64xf32, #tpu.memory_space<vmem>>
      tpu.wait_dma2 semaphore(%dma_wait3A_808 : memref<!tpu.dma_semaphore, #tpu.memory_space<semaphore_mem>>) src(%dma_wait3A_814 : memref<400x64xf32, #tpu.memory_space<vmem>>) dst(%dma_wait3A_810 : memref<400x64xf32, #tpu.memory_space<hbm>>)
      %add3A_815 = arith.constant 2 : i32
      %add3A_816 = arith.addi %add3A_761, %add3A_815 : i32
      %dma_start3A_817 = arith.constant 1 : i32
      %dma_start3A_818 = arith.constant 1 : i32
      %dma_start3A_819 = arith.constant 0 : i32
      %dma_start3A_820 = arith.constant 0 : i32
      %dma_start3A_821 = tpu.memref_slice %arg6[%dma_start3A_817, %dma_start3A_819, %dma_start3A_820] : memref<4x400x64xf32, #tpu.memory_space<vmem>> -> memref<1x400x64xf32, #tpu.memory_space<vmem>>
      %dma_start3A_822 = tpu.memref_squeeze %dma_start3A_821 : memref<1x400x64xf32, #tpu.memory_space<vmem>> -> memref<400x64xf32, #tpu.memory_space<vmem>>
      %dma_start3A_823 = arith.constant 0 : i32
      %dma_start3A_824 = tpu.memref_slice %arg5[%add3A_816, %dma_start3A_823] : memref<64x400xi32, #tpu.memory_space<vmem>> -> memref<1x400xi32, #tpu.memory_space<vmem>>
      %dma_start3A_825 = tpu.memref_squeeze %dma_start3A_824 : memref<1x400xi32, #tpu.memory_space<vmem>> -> memref<400xi32, #tpu.memory_space<vmem>>
      %dma_start3A_826 = arith.constant 0 : i32
      %dma_start3A_827 = arith.constant 0 : i32
      %dma_start3A_828 = tpu.memref_slice %arg3[%dma_start3A_826, %dma_start3A_827] : memref<1000000x64xf32, #tpu.memory_space<hbm>> -> memref<1000000x64xf32, #tpu.memory_space<hbm>>
      %dma_start3A_829 = tpu.memref_slice %arg7[%dma_start3A_818] : memref<4x!tpu.dma_semaphore, #tpu.memory_space<semaphore_mem>> -> memref<1x!tpu.dma_semaphore, #tpu.memory_space<semaphore_mem>>
      %dma_start3A_830 = tpu.memref_squeeze %dma_start3A_829 : memref<1x!tpu.dma_semaphore, #tpu.memory_space<semaphore_mem>> -> memref<!tpu.dma_semaphore, #tpu.memory_space<semaphore_mem>>
      tpu.enqueue_indirect_dma source(%dma_start3A_828 : memref<1000000x64xf32, #tpu.memory_space<hbm>>) target(%dma_start3A_822 : memref<400x64xf32, #tpu.memory_space<vmem>>) offsets(%dma_start3A_825 : memref<400xi32, #tpu.memory_space<vmem>>) semaphore(%dma_start3A_830 : memref<!tpu.dma_semaphore, #tpu.memory_space<semaphore_mem>>)
    }
    %scan3A_273 = arith.constant 14 : i32
    %dma_wait3A_274 = arith.constant 0 : i32
    %dma_wait3A_275 = arith.constant 0 : i32
    %dma_wait3A_276 = arith.constant 0 : i32
    %dma_wait3A_277 = arith.constant 0 : i32
    %dma_wait3A_278 = tpu.memref_slice %arg6[%dma_wait3A_274, %dma_wait3A_276, %dma_wait3A_277] : memref<4x400x64xf32, #tpu.memory_space<vmem>> -> memref<1x400x64xf32, #tpu.memory_space<vmem>>
    %dma_wait3A_279 = tpu.memref_squeeze %dma_wait3A_278 : memref<1x400x64xf32, #tpu.memory_space<vmem>> -> memref<400x64xf32, #tpu.memory_space<vmem>>
    %dma_wait3A_280 = arith.constant 0 : i32
    %dma_wait3A_281 = arith.constant 0 : i32
    %dma_wait3A_282 = tpu.memref_slice %arg3[%dma_wait3A_280, %dma_wait3A_281] : memref<1000000x64xf32, #tpu.memory_space<hbm>> -> memref<400x64xf32, #tpu.memory_space<hbm>>
    %dma_wait3A_283 = tpu.memref_slice %arg7[%dma_wait3A_275] : memref<4x!tpu.dma_semaphore, #tpu.memory_space<semaphore_mem>> -> memref<1x!tpu.dma_semaphore, #tpu.memory_space<semaphore_mem>>
    %dma_wait3A_284 = tpu.memref_squeeze %dma_wait3A_283 : memref<1x!tpu.dma_semaphore, #tpu.memory_space<semaphore_mem>> -> memref<!tpu.dma_semaphore, #tpu.memory_space<semaphore_mem>>
    %dma_wait3A_285 = arith.constant 0 : i32
    %dma_wait3A_286 = arith.constant 0 : i32
    %dma_wait3A_287 = tpu.memref_slice %arg6[%dma_wait3A_274, %dma_wait3A_285, %dma_wait3A_286] : memref<4x400x64xf32, #tpu.memory_space<vmem>> -> memref<1x400x64xf32, #tpu.memory_space<vmem>>
    %dma_wait3A_288 = tpu.memref_squeeze %dma_wait3A_287 : memref<1x400x64xf32, #tpu.memory_space<vmem>> -> memref<400x64xf32, #tpu.memory_space<vmem>>
    %dma_wait3A_289 = arith.constant 0 : i32
    %dma_wait3A_290 = arith.constant 0 : i32
    %dma_wait3A_291 = tpu.memref_slice %arg3[%dma_wait3A_289, %dma_wait3A_290] : memref<1000000x64xf32, #tpu.memory_space<hbm>> -> memref<400x64xf32, #tpu.memory_space<hbm>>
    tpu.wait_dma2 semaphore(%dma_wait3A_284 : memref<!tpu.dma_semaphore, #tpu.memory_space<semaphore_mem>>) src(%dma_wait3A_291 : memref<400x64xf32, #tpu.memory_space<hbm>>) dst(%dma_wait3A_288 : memref<400x64xf32, #tpu.memory_space<vmem>>)
    %add3A_292 = arith.constant 24000 : i32
    %add3A_293 = arith.addi %mul3A_2, %add3A_292 : i32
    %dma_start3A_294 = arith.constant 0 : i32
    %dma_start3A_295 = arith.constant 0 : i32
    %dma_start3A_296 = arith.constant 0 : i32
    %dma_start3A_297 = arith.constant 0 : i32
    %dma_start3A_298 = tpu.memref_slice %arg6[%dma_start3A_294, %dma_start3A_296, %dma_start3A_297] : memref<4x400x64xf32, #tpu.memory_space<vmem>> -> memref<1x400x64xf32, #tpu.memory_space<vmem>>
    %dma_start3A_299 = tpu.memref_squeeze %dma_start3A_298 : memref<1x400x64xf32, #tpu.memory_space<vmem>> -> memref<400x64xf32, #tpu.memory_space<vmem>>
    %dma_start3A_300 = arith.constant 0 : i32
    %dma_start3A_301 = tpu.memref_slice %arg4[%add3A_293, %dma_start3A_300] : memref<819200x64xf32, #tpu.memory_space<hbm>> -> memref<400x64xf32, #tpu.memory_space<hbm>>
    %dma_start3A_302 = tpu.memref_slice %arg8[%dma_start3A_295] : memref<4x!tpu.dma_semaphore, #tpu.memory_space<semaphore_mem>> -> memref<1x!tpu.dma_semaphore, #tpu.memory_space<semaphore_mem>>
    %dma_start3A_303 = tpu.memref_squeeze %dma_start3A_302 : memref<1x!tpu.dma_semaphore, #tpu.memory_space<semaphore_mem>> -> memref<!tpu.dma_semaphore, #tpu.memory_space<semaphore_mem>>
    %dma_start3A_304 = arith.constant 0 : i32
    %dma_start3A_305 = tpu.memref_slice %arg4[%add3A_293, %dma_start3A_304] : memref<819200x64xf32, #tpu.memory_space<hbm>> -> memref<400x64xf32, #tpu.memory_space<hbm>>
    %dma_start3A_306 = arith.constant 0 : i32
    %dma_start3A_307 = arith.constant 0 : i32
    %dma_start3A_308 = tpu.memref_slice %arg6[%dma_start3A_294, %dma_start3A_306, %dma_start3A_307] : memref<4x400x64xf32, #tpu.memory_space<vmem>> -> memref<1x400x64xf32, #tpu.memory_space<vmem>>
    %dma_start3A_309 = tpu.memref_squeeze %dma_start3A_308 : memref<1x400x64xf32, #tpu.memory_space<vmem>> -> memref<400x64xf32, #tpu.memory_space<vmem>>
    tpu.enqueue_dma source(%dma_start3A_309 : memref<400x64xf32, #tpu.memory_space<vmem>>) target(%dma_start3A_305 : memref<400x64xf32, #tpu.memory_space<hbm>>) target_semaphore(%dma_start3A_303 : memref<!tpu.dma_semaphore, #tpu.memory_space<semaphore_mem>>)
    %dma_wait3A_310 = arith.constant 2 : i32
    %dma_wait3A_311 = arith.constant 2 : i32
    %dma_wait3A_312 = arith.constant 0 : i32
    %dma_wait3A_313 = arith.constant 0 : i32
    %dma_wait3A_314 = tpu.memref_slice %arg6[%dma_wait3A_310, %dma_wait3A_312, %dma_wait3A_313] : memref<4x400x64xf32, #tpu.memory_space<vmem>> -> memref<1x400x64xf32, #tpu.memory_space<vmem>>
    %dma_wait3A_315 = tpu.memref_squeeze %dma_wait3A_314 : memref<1x400x64xf32, #tpu.memory_space<vmem>> -> memref<400x64xf32, #tpu.memory_space<vmem>>
    %dma_wait3A_316 = arith.constant 0 : i32
    %dma_wait3A_317 = tpu.memref_slice %arg4[%mul3A_2, %dma_wait3A_316] : memref<819200x64xf32, #tpu.memory_space<hbm>> -> memref<400x64xf32, #tpu.memory_space<hbm>>
    %dma_wait3A_318 = tpu.memref_slice %arg8[%dma_wait3A_311] : memref<4x!tpu.dma_semaphore, #tpu.memory_space<semaphore_mem>> -> memref<1x!tpu.dma_semaphore, #tpu.memory_space<semaphore_mem>>
    %dma_wait3A_319 = tpu.memref_squeeze %dma_wait3A_318 : memref<1x!tpu.dma_semaphore, #tpu.memory_space<semaphore_mem>> -> memref<!tpu.dma_semaphore, #tpu.memory_space<semaphore_mem>>
    %dma_wait3A_320 = arith.constant 0 : i32
    %dma_wait3A_321 = tpu.memref_slice %arg4[%mul3A_2, %dma_wait3A_320] : memref<819200x64xf32, #tpu.memory_space<hbm>> -> memref<400x64xf32, #tpu.memory_space<hbm>>
    %dma_wait3A_322 = arith.constant 0 : i32
    %dma_wait3A_323 = arith.constant 0 : i32
    %dma_wait3A_324 = tpu.memref_slice %arg6[%dma_wait3A_310, %dma_wait3A_322, %dma_wait3A_323] : memref<4x400x64xf32, #tpu.memory_space<vmem>> -> memref<1x400x64xf32, #tpu.memory_space<vmem>>
    %dma_wait3A_325 = tpu.memref_squeeze %dma_wait3A_324 : memref<1x400x64xf32, #tpu.memory_space<vmem>> -> memref<400x64xf32, #tpu.memory_space<vmem>>
    tpu.wait_dma2 semaphore(%dma_wait3A_319 : memref<!tpu.dma_semaphore, #tpu.memory_space<semaphore_mem>>) src(%dma_wait3A_325 : memref<400x64xf32, #tpu.memory_space<vmem>>) dst(%dma_wait3A_321 : memref<400x64xf32, #tpu.memory_space<hbm>>)
    %dma_start3A_326 = arith.constant 62 : i32
    %dma_start3A_327 = arith.constant 2 : i32
    %dma_start3A_328 = arith.constant 2 : i32
    %dma_start3A_329 = arith.constant 0 : i32
    %dma_start3A_330 = arith.constant 0 : i32
    %dma_start3A_331 = tpu.memref_slice %arg6[%dma_start3A_327, %dma_start3A_329, %dma_start3A_330] : memref<4x400x64xf32, #tpu.memory_space<vmem>> -> memref<1x400x64xf32, #tpu.memory_space<vmem>>
    %dma_start3A_332 = tpu.memref_squeeze %dma_start3A_331 : memref<1x400x64xf32, #tpu.memory_space<vmem>> -> memref<400x64xf32, #tpu.memory_space<vmem>>
    %dma_start3A_333 = arith.constant 0 : i32
    %dma_start3A_334 = tpu.memref_slice %arg5[%dma_start3A_326, %dma_start3A_333] : memref<64x400xi32, #tpu.memory_space<vmem>> -> memref<1x400xi32, #tpu.memory_space<vmem>>
    %dma_start3A_335 = tpu.memref_squeeze %dma_start3A_334 : memref<1x400xi32, #tpu.memory_space<vmem>> -> memref<400xi32, #tpu.memory_space<vmem>>
    %dma_start3A_336 = arith.constant 0 : i32
    %dma_start3A_337 = arith.constant 0 : i32
    %dma_start3A_338 = tpu.memref_slice %arg3[%dma_start3A_336, %dma_start3A_337] : memref<1000000x64xf32, #tpu.memory_space<hbm>> -> memref<1000000x64xf32, #tpu.memory_space<hbm>>
    %dma_start3A_339 = tpu.memref_slice %arg7[%dma_start3A_328] : memref<4x!tpu.dma_semaphore, #tpu.memory_space<semaphore_mem>> -> memref<1x!tpu.dma_semaphore, #tpu.memory_space<semaphore_mem>>
    %dma_start3A_340 = tpu.memref_squeeze %dma_start3A_339 : memref<1x!tpu.dma_semaphore, #tpu.memory_space<semaphore_mem>> -> memref<!tpu.dma_semaphore, #tpu.memory_space<semaphore_mem>>
    tpu.enqueue_indirect_dma source(%dma_start3A_338 : memref<1000000x64xf32, #tpu.memory_space<hbm>>) target(%dma_start3A_332 : memref<400x64xf32, #tpu.memory_space<vmem>>) offsets(%dma_start3A_335 : memref<400xi32, #tpu.memory_space<vmem>>) semaphore(%dma_start3A_340 : memref<!tpu.dma_semaphore, #tpu.memory_space<semaphore_mem>>)
    %dma_wait3A_341 = arith.constant 1 : i32
    %dma_wait3A_342 = arith.constant 1 : i32
    %dma_wait3A_343 = arith.constant 0 : i32
    %dma_wait3A_344 = arith.constant 0 : i32
    %dma_wait3A_345 = tpu.memref_slice %arg6[%dma_wait3A_341, %dma_wait3A_343, %dma_wait3A_344] : memref<4x400x64xf32, #tpu.memory_space<vmem>> -> memref<1x400x64xf32, #tpu.memory_space<vmem>>
    %dma_wait3A_346 = tpu.memref_squeeze %dma_wait3A_345 : memref<1x400x64xf32, #tpu.memory_space<vmem>> -> memref<400x64xf32, #tpu.memory_space<vmem>>
    %dma_wait3A_347 = arith.constant 0 : i32
    %dma_wait3A_348 = arith.constant 0 : i32
    %dma_wait3A_349 = tpu.memref_slice %arg3[%dma_wait3A_347, %dma_wait3A_348] : memref<1000000x64xf32, #tpu.memory_space<hbm>> -> memref<400x64xf32, #tpu.memory_space<hbm>>
    %dma_wait3A_350 = tpu.memref_slice %arg7[%dma_wait3A_342] : memref<4x!tpu.dma_semaphore, #tpu.memory_space<semaphore_mem>> -> memref<1x!tpu.dma_semaphore, #tpu.memory_space<semaphore_mem>>
    %dma_wait3A_351 = tpu.memref_squeeze %dma_wait3A_350 : memref<1x!tpu.dma_semaphore, #tpu.memory_space<semaphore_mem>> -> memref<!tpu.dma_semaphore, #tpu.memory_space<semaphore_mem>>
    %dma_wait3A_352 = arith.constant 0 : i32
    %dma_wait3A_353 = arith.constant 0 : i32
    %dma_wait3A_354 = tpu.memref_slice %arg6[%dma_wait3A_341, %dma_wait3A_352, %dma_wait3A_353] : memref<4x400x64xf32, #tpu.memory_space<vmem>> -> memref<1x400x64xf32, #tpu.memory_space<vmem>>
    %dma_wait3A_355 = tpu.memref_squeeze %dma_wait3A_354 : memref<1x400x64xf32, #tpu.memory_space<vmem>> -> memref<400x64xf32, #tpu.memory_space<vmem>>
    %dma_wait3A_356 = arith.constant 0 : i32
    %dma_wait3A_357 = arith.constant 0 : i32
    %dma_wait3A_358 = tpu.memref_slice %arg3[%dma_wait3A_356, %dma_wait3A_357] : memref<1000000x64xf32, #tpu.memory_space<hbm>> -> memref<400x64xf32, #tpu.memory_space<hbm>>
    tpu.wait_dma2 semaphore(%dma_wait3A_351 : memref<!tpu.dma_semaphore, #tpu.memory_space<semaphore_mem>>) src(%dma_wait3A_358 : memref<400x64xf32, #tpu.memory_space<hbm>>) dst(%dma_wait3A_355 : memref<400x64xf32, #tpu.memory_space<vmem>>)
    %add3A_359 = arith.constant 24400 : i32
    %add3A_360 = arith.addi %mul3A_2, %add3A_359 : i32
    %dma_start3A_361 = arith.constant 1 : i32
    %dma_start3A_362 = arith.constant 1 : i32
    %dma_start3A_363 = arith.constant 0 : i32
    %dma_start3A_364 = arith.constant 0 : i32
    %dma_start3A_365 = tpu.memref_slice %arg6[%dma_start3A_361, %dma_start3A_363, %dma_start3A_364] : memref<4x400x64xf32, #tpu.memory_space<vmem>> -> memref<1x400x64xf32, #tpu.memory_space<vmem>>
    %dma_start3A_366 = tpu.memref_squeeze %dma_start3A_365 : memref<1x400x64xf32, #tpu.memory_space<vmem>> -> memref<400x64xf32, #tpu.memory_space<vmem>>
    %dma_start3A_367 = arith.constant 0 : i32
    %dma_start3A_368 = tpu.memref_slice %arg4[%add3A_360, %dma_start3A_367] : memref<819200x64xf32, #tpu.memory_space<hbm>> -> memref<400x64xf32, #tpu.memory_space<hbm>>
    %dma_start3A_369 = tpu.memref_slice %arg8[%dma_start3A_362] : memref<4x!tpu.dma_semaphore, #tpu.memory_space<semaphore_mem>> -> memref<1x!tpu.dma_semaphore, #tpu.memory_space<semaphore_mem>>
    %dma_start3A_370 = tpu.memref_squeeze %dma_start3A_369 : memref<1x!tpu.dma_semaphore, #tpu.memory_space<semaphore_mem>> -> memref<!tpu.dma_semaphore, #tpu.memory_space<semaphore_mem>>
    %dma_start3A_371 = arith.constant 0 : i32
    %dma_start3A_372 = tpu.memref_slice %arg4[%add3A_360, %dma_start3A_371] : memref<819200x64xf32, #tpu.memory_space<hbm>> -> memref<400x64xf32, #tpu.memory_space<hbm>>
    %dma_start3A_373 = arith.constant 0 : i32
    %dma_start3A_374 = arith.constant 0 : i32
    %dma_start3A_375 = tpu.memref_slice %arg6[%dma_start3A_361, %dma_start3A_373, %dma_start3A_374] : memref<4x400x64xf32, #tpu.memory_space<vmem>> -> memref<1x400x64xf32, #tpu.memory_space<vmem>>
    %dma_start3A_376 = tpu.memref_squeeze %dma_start3A_375 : memref<1x400x64xf32, #tpu.memory_space<vmem>> -> memref<400x64xf32, #tpu.memory_space<vmem>>
    tpu.enqueue_dma source(%dma_start3A_376 : memref<400x64xf32, #tpu.memory_space<vmem>>) target(%dma_start3A_372 : memref<400x64xf32, #tpu.memory_space<hbm>>) target_semaphore(%dma_start3A_370 : memref<!tpu.dma_semaphore, #tpu.memory_space<semaphore_mem>>)
    %dma_wait3A_377 = arith.constant 3 : i32
    %dma_wait3A_378 = arith.constant 3 : i32
    %dma_wait3A_379 = arith.constant 0 : i32
    %dma_wait3A_380 = arith.constant 0 : i32
    %dma_wait3A_381 = tpu.memref_slice %arg6[%dma_wait3A_377, %dma_wait3A_379, %dma_wait3A_380] : memref<4x400x64xf32, #tpu.memory_space<vmem>> -> memref<1x400x64xf32, #tpu.memory_space<vmem>>
    %dma_wait3A_382 = tpu.memref_squeeze %dma_wait3A_381 : memref<1x400x64xf32, #tpu.memory_space<vmem>> -> memref<400x64xf32, #tpu.memory_space<vmem>>
    %dma_wait3A_383 = arith.constant 0 : i32
    %dma_wait3A_384 = tpu.memref_slice %arg4[%mul3A_2, %dma_wait3A_383] : memref<819200x64xf32, #tpu.memory_space<hbm>> -> memref<400x64xf32, #tpu.memory_space<hbm>>
    %dma_wait3A_385 = tpu.memref_slice %arg8[%dma_wait3A_378] : memref<4x!tpu.dma_semaphore, #tpu.memory_space<semaphore_mem>> -> memref<1x!tpu.dma_semaphore, #tpu.memory_space<semaphore_mem>>
    %dma_wait3A_386 = tpu.memref_squeeze %dma_wait3A_385 : memref<1x!tpu.dma_semaphore, #tpu.memory_space<semaphore_mem>> -> memref<!tpu.dma_semaphore, #tpu.memory_space<semaphore_mem>>
    %dma_wait3A_387 = arith.constant 0 : i32
    %dma_wait3A_388 = tpu.memref_slice %arg4[%mul3A_2, %dma_wait3A_387] : memref<819200x64xf32, #tpu.memory_space<hbm>> -> memref<400x64xf32, #tpu.memory_space<hbm>>
    %dma_wait3A_389 = arith.constant 0 : i32
    %dma_wait3A_390 = arith.constant 0 : i32
    %dma_wait3A_391 = tpu.memref_slice %arg6[%dma_wait3A_377, %dma_wait3A_389, %dma_wait3A_390] : memref<4x400x64xf32, #tpu.memory_space<vmem>> -> memref<1x400x64xf32, #tpu.memory_space<vmem>>
    %dma_wait3A_392 = tpu.memref_squeeze %dma_wait3A_391 : memref<1x400x64xf32, #tpu.memory_space<vmem>> -> memref<400x64xf32, #tpu.memory_space<vmem>>
    tpu.wait_dma2 semaphore(%dma_wait3A_386 : memref<!tpu.dma_semaphore, #tpu.memory_space<semaphore_mem>>) src(%dma_wait3A_392 : memref<400x64xf32, #tpu.memory_space<vmem>>) dst(%dma_wait3A_388 : memref<400x64xf32, #tpu.memory_space<hbm>>)
    %dma_start3A_393 = arith.constant 63 : i32
    %dma_start3A_394 = arith.constant 3 : i32
    %dma_start3A_395 = arith.constant 3 : i32
    %dma_start3A_396 = arith.constant 0 : i32
    %dma_start3A_397 = arith.constant 0 : i32
    %dma_start3A_398 = tpu.memref_slice %arg6[%dma_start3A_394, %dma_start3A_396, %dma_start3A_397] : memref<4x400x64xf32, #tpu.memory_space<vmem>> -> memref<1x400x64xf32, #tpu.memory_space<vmem>>
    %dma_start3A_399 = tpu.memref_squeeze %dma_start3A_398 : memref<1x400x64xf32, #tpu.memory_space<vmem>> -> memref<400x64xf32, #tpu.memory_space<vmem>>
    %dma_start3A_400 = arith.constant 0 : i32
    %dma_start3A_401 = tpu.memref_slice %arg5[%dma_start3A_393, %dma_start3A_400] : memref<64x400xi32, #tpu.memory_space<vmem>> -> memref<1x400xi32, #tpu.memory_space<vmem>>
    %dma_start3A_402 = tpu.memref_squeeze %dma_start3A_401 : memref<1x400xi32, #tpu.memory_space<vmem>> -> memref<400xi32, #tpu.memory_space<vmem>>
    %dma_start3A_403 = arith.constant 0 : i32
    %dma_start3A_404 = arith.constant 0 : i32
    %dma_start3A_405 = tpu.memref_slice %arg3[%dma_start3A_403, %dma_start3A_404] : memref<1000000x64xf32, #tpu.memory_space<hbm>> -> memref<1000000x64xf32, #tpu.memory_space<hbm>>
    %dma_start3A_406 = tpu.memref_slice %arg7[%dma_start3A_395] : memref<4x!tpu.dma_semaphore, #tpu.memory_space<semaphore_mem>> -> memref<1x!tpu.dma_semaphore, #tpu.memory_space<semaphore_mem>>
    %dma_start3A_407 = tpu.memref_squeeze %dma_start3A_406 : memref<1x!tpu.dma_semaphore, #tpu.memory_space<semaphore_mem>> -> memref<!tpu.dma_semaphore, #tpu.memory_space<semaphore_mem>>
    tpu.enqueue_indirect_dma source(%dma_start3A_405 : memref<1000000x64xf32, #tpu.memory_space<hbm>>) target(%dma_start3A_399 : memref<400x64xf32, #tpu.memory_space<vmem>>) offsets(%dma_start3A_402 : memref<400xi32, #tpu.memory_space<vmem>>) semaphore(%dma_start3A_407 : memref<!tpu.dma_semaphore, #tpu.memory_space<semaphore_mem>>)
    %dma_wait3A_408 = arith.constant 2 : i32
    %dma_wait3A_409 = arith.constant 2 : i32
    %dma_wait3A_410 = arith.constant 0 : i32
    %dma_wait3A_411 = arith.constant 0 : i32
    %dma_wait3A_412 = tpu.memref_slice %arg6[%dma_wait3A_408, %dma_wait3A_410, %dma_wait3A_411] : memref<4x400x64xf32, #tpu.memory_space<vmem>> -> memref<1x400x64xf32, #tpu.memory_space<vmem>>
    %dma_wait3A_413 = tpu.memref_squeeze %dma_wait3A_412 : memref<1x400x64xf32, #tpu.memory_space<vmem>> -> memref<400x64xf32, #tpu.memory_space<vmem>>
    %dma_wait3A_414 = arith.constant 0 : i32
    %dma_wait3A_415 = arith.constant 0 : i32
    %dma_wait3A_416 = tpu.memref_slice %arg3[%dma_wait3A_414, %dma_wait3A_415] : memref<1000000x64xf32, #tpu.memory_space<hbm>> -> memref<400x64xf32, #tpu.memory_space<hbm>>
    %dma_wait3A_417 = tpu.memref_slice %arg7[%dma_wait3A_409] : memref<4x!tpu.dma_semaphore, #tpu.memory_space<semaphore_mem>> -> memref<1x!tpu.dma_semaphore, #tpu.memory_space<semaphore_mem>>
    %dma_wait3A_418 = tpu.memref_squeeze %dma_wait3A_417 : memref<1x!tpu.dma_semaphore, #tpu.memory_space<semaphore_mem>> -> memref<!tpu.dma_semaphore, #tpu.memory_space<semaphore_mem>>
    %dma_wait3A_419 = arith.constant 0 : i32
    %dma_wait3A_420 = arith.constant 0 : i32
    %dma_wait3A_421 = tpu.memref_slice %arg6[%dma_wait3A_408, %dma_wait3A_419, %dma_wait3A_420] : memref<4x400x64xf32, #tpu.memory_space<vmem>> -> memref<1x400x64xf32, #tpu.memory_space<vmem>>
    %dma_wait3A_422 = tpu.memref_squeeze %dma_wait3A_421 : memref<1x400x64xf32, #tpu.memory_space<vmem>> -> memref<400x64xf32, #tpu.memory_space<vmem>>
    %dma_wait3A_423 = arith.constant 0 : i32
    %dma_wait3A_424 = arith.constant 0 : i32
    %dma_wait3A_425 = tpu.memref_slice %arg3[%dma_wait3A_423, %dma_wait3A_424] : memref<1000000x64xf32, #tpu.memory_space<hbm>> -> memref<400x64xf32, #tpu.memory_space<hbm>>
    tpu.wait_dma2 semaphore(%dma_wait3A_418 : memref<!tpu.dma_semaphore, #tpu.memory_space<semaphore_mem>>) src(%dma_wait3A_425 : memref<400x64xf32, #tpu.memory_space<hbm>>) dst(%dma_wait3A_422 : memref<400x64xf32, #tpu.memory_space<vmem>>)
    %add3A_426 = arith.constant 24800 : i32
    %add3A_427 = arith.addi %mul3A_2, %add3A_426 : i32
    %dma_start3A_428 = arith.constant 2 : i32
    %dma_start3A_429 = arith.constant 2 : i32
    %dma_start3A_430 = arith.constant 0 : i32
    %dma_start3A_431 = arith.constant 0 : i32
    %dma_start3A_432 = tpu.memref_slice %arg6[%dma_start3A_428, %dma_start3A_430, %dma_start3A_431] : memref<4x400x64xf32, #tpu.memory_space<vmem>> -> memref<1x400x64xf32, #tpu.memory_space<vmem>>
    %dma_start3A_433 = tpu.memref_squeeze %dma_start3A_432 : memref<1x400x64xf32, #tpu.memory_space<vmem>> -> memref<400x64xf32, #tpu.memory_space<vmem>>
    %dma_start3A_434 = arith.constant 0 : i32
    %dma_start3A_435 = tpu.memref_slice %arg4[%add3A_427, %dma_start3A_434] : memref<819200x64xf32, #tpu.memory_space<hbm>> -> memref<400x64xf32, #tpu.memory_space<hbm>>
    %dma_start3A_436 = tpu.memref_slice %arg8[%dma_start3A_429] : memref<4x!tpu.dma_semaphore, #tpu.memory_space<semaphore_mem>> -> memref<1x!tpu.dma_semaphore, #tpu.memory_space<semaphore_mem>>
    %dma_start3A_437 = tpu.memref_squeeze %dma_start3A_436 : memref<1x!tpu.dma_semaphore, #tpu.memory_space<semaphore_mem>> -> memref<!tpu.dma_semaphore, #tpu.memory_space<semaphore_mem>>
    %dma_start3A_438 = arith.constant 0 : i32
    %dma_start3A_439 = tpu.memref_slice %arg4[%add3A_427, %dma_start3A_438] : memref<819200x64xf32, #tpu.memory_space<hbm>> -> memref<400x64xf32, #tpu.memory_space<hbm>>
    %dma_start3A_440 = arith.constant 0 : i32
    %dma_start3A_441 = arith.constant 0 : i32
    %dma_start3A_442 = tpu.memref_slice %arg6[%dma_start3A_428, %dma_start3A_440, %dma_start3A_441] : memref<4x400x64xf32, #tpu.memory_space<vmem>> -> memref<1x400x64xf32, #tpu.memory_space<vmem>>
    %dma_start3A_443 = tpu.memref_squeeze %dma_start3A_442 : memref<1x400x64xf32, #tpu.memory_space<vmem>> -> memref<400x64xf32, #tpu.memory_space<vmem>>
    tpu.enqueue_dma source(%dma_start3A_443 : memref<400x64xf32, #tpu.memory_space<vmem>>) target(%dma_start3A_439 : memref<400x64xf32, #tpu.memory_space<hbm>>) target_semaphore(%dma_start3A_437 : memref<!tpu.dma_semaphore, #tpu.memory_space<semaphore_mem>>)
    %dma_wait3A_444 = arith.constant 3 : i32
    %dma_wait3A_445 = arith.constant 3 : i32
    %dma_wait3A_446 = arith.constant 0 : i32
    %dma_wait3A_447 = arith.constant 0 : i32
    %dma_wait3A_448 = tpu.memref_slice %arg6[%dma_wait3A_444, %dma_wait3A_446, %dma_wait3A_447] : memref<4x400x64xf32, #tpu.memory_space<vmem>> -> memref<1x400x64xf32, #tpu.memory_space<vmem>>
    %dma_wait3A_449 = tpu.memref_squeeze %dma_wait3A_448 : memref<1x400x64xf32, #tpu.memory_space<vmem>> -> memref<400x64xf32, #tpu.memory_space<vmem>>
    %dma_wait3A_450 = arith.constant 0 : i32
    %dma_wait3A_451 = arith.constant 0 : i32
    %dma_wait3A_452 = tpu.memref_slice %arg3[%dma_wait3A_450, %dma_wait3A_451] : memref<1000000x64xf32, #tpu.memory_space<hbm>> -> memref<400x64xf32, #tpu.memory_space<hbm>>
    %dma_wait3A_453 = tpu.memref_slice %arg7[%dma_wait3A_445] : memref<4x!tpu.dma_semaphore, #tpu.memory_space<semaphore_mem>> -> memref<1x!tpu.dma_semaphore, #tpu.memory_space<semaphore_mem>>
    %dma_wait3A_454 = tpu.memref_squeeze %dma_wait3A_453 : memref<1x!tpu.dma_semaphore, #tpu.memory_space<semaphore_mem>> -> memref<!tpu.dma_semaphore, #tpu.memory_space<semaphore_mem>>
    %dma_wait3A_455 = arith.constant 0 : i32
    %dma_wait3A_456 = arith.constant 0 : i32
    %dma_wait3A_457 = tpu.memref_slice %arg6[%dma_wait3A_444, %dma_wait3A_455, %dma_wait3A_456] : memref<4x400x64xf32, #tpu.memory_space<vmem>> -> memref<1x400x64xf32, #tpu.memory_space<vmem>>
    %dma_wait3A_458 = tpu.memref_squeeze %dma_wait3A_457 : memref<1x400x64xf32, #tpu.memory_space<vmem>> -> memref<400x64xf32, #tpu.memory_space<vmem>>
    %dma_wait3A_459 = arith.constant 0 : i32
    %dma_wait3A_460 = arith.constant 0 : i32
    %dma_wait3A_461 = tpu.memref_slice %arg3[%dma_wait3A_459, %dma_wait3A_460] : memref<1000000x64xf32, #tpu.memory_space<hbm>> -> memref<400x64xf32, #tpu.memory_space<hbm>>
    tpu.wait_dma2 semaphore(%dma_wait3A_454 : memref<!tpu.dma_semaphore, #tpu.memory_space<semaphore_mem>>) src(%dma_wait3A_461 : memref<400x64xf32, #tpu.memory_space<hbm>>) dst(%dma_wait3A_458 : memref<400x64xf32, #tpu.memory_space<vmem>>)
    %add3A_462 = arith.constant 25200 : i32
    %add3A_463 = arith.addi %mul3A_2, %add3A_462 : i32
    %dma_start3A_464 = arith.constant 3 : i32
    %dma_start3A_465 = arith.constant 3 : i32
    %dma_start3A_466 = arith.constant 0 : i32
    %dma_start3A_467 = arith.constant 0 : i32
    %dma_start3A_468 = tpu.memref_slice %arg6[%dma_start3A_464, %dma_start3A_466, %dma_start3A_467] : memref<4x400x64xf32, #tpu.memory_space<vmem>> -> memref<1x400x64xf32, #tpu.memory_space<vmem>>
    %dma_start3A_469 = tpu.memref_squeeze %dma_start3A_468 : memref<1x400x64xf32, #tpu.memory_space<vmem>> -> memref<400x64xf32, #tpu.memory_space<vmem>>
    %dma_start3A_470 = arith.constant 0 : i32
    %dma_start3A_471 = tpu.memref_slice %arg4[%add3A_463, %dma_start3A_470] : memref<819200x64xf32, #tpu.memory_space<hbm>> -> memref<400x64xf32, #tpu.memory_space<hbm>>
    %dma_start3A_472 = tpu.memref_slice %arg8[%dma_start3A_465] : memref<4x!tpu.dma_semaphore, #tpu.memory_space<semaphore_mem>> -> memref<1x!tpu.dma_semaphore, #tpu.memory_space<semaphore_mem>>
    %dma_start3A_473 = tpu.memref_squeeze %dma_start3A_472 : memref<1x!tpu.dma_semaphore, #tpu.memory_space<semaphore_mem>> -> memref<!tpu.dma_semaphore, #tpu.memory_space<semaphore_mem>>
    %dma_start3A_474 = arith.constant 0 : i32
    %dma_start3A_475 = tpu.memref_slice %arg4[%add3A_463, %dma_start3A_474] : memref<819200x64xf32, #tpu.memory_space<hbm>> -> memref<400x64xf32, #tpu.memory_space<hbm>>
    %dma_start3A_476 = arith.constant 0 : i32
    %dma_start3A_477 = arith.constant 0 : i32
    %dma_start3A_478 = tpu.memref_slice %arg6[%dma_start3A_464, %dma_start3A_476, %dma_start3A_477] : memref<4x400x64xf32, #tpu.memory_space<vmem>> -> memref<1x400x64xf32, #tpu.memory_space<vmem>>
    %dma_start3A_479 = tpu.memref_squeeze %dma_start3A_478 : memref<1x400x64xf32, #tpu.memory_space<vmem>> -> memref<400x64xf32, #tpu.memory_space<vmem>>
    tpu.enqueue_dma source(%dma_start3A_479 : memref<400x64xf32, #tpu.memory_space<vmem>>) target(%dma_start3A_475 : memref<400x64xf32, #tpu.memory_space<hbm>>) target_semaphore(%dma_start3A_473 : memref<!tpu.dma_semaphore, #tpu.memory_space<semaphore_mem>>)
    %dma_wait3A_480 = arith.constant 0 : i32
    %dma_wait3A_481 = arith.constant 0 : i32
    %dma_wait3A_482 = arith.constant 0 : i32
    %dma_wait3A_483 = arith.constant 0 : i32
    %dma_wait3A_484 = tpu.memref_slice %arg6[%dma_wait3A_480, %dma_wait3A_482, %dma_wait3A_483] : memref<4x400x64xf32, #tpu.memory_space<vmem>> -> memref<1x400x64xf32, #tpu.memory_space<vmem>>
    %dma_wait3A_485 = tpu.memref_squeeze %dma_wait3A_484 : memref<1x400x64xf32, #tpu.memory_space<vmem>> -> memref<400x64xf32, #tpu.memory_space<vmem>>
    %dma_wait3A_486 = arith.constant 0 : i32
    %dma_wait3A_487 = tpu.memref_slice %arg4[%mul3A_2, %dma_wait3A_486] : memref<819200x64xf32, #tpu.memory_space<hbm>> -> memref<400x64xf32, #tpu.memory_space<hbm>>
    %dma_wait3A_488 = tpu.memref_slice %arg8[%dma_wait3A_481] : memref<4x!tpu.dma_semaphore, #tpu.memory_space<semaphore_mem>> -> memref<1x!tpu.dma_semaphore, #tpu.memory_space<semaphore_mem>>
    %dma_wait3A_489 = tpu.memref_squeeze %dma_wait3A_488 : memref<1x!tpu.dma_semaphore, #tpu.memory_space<semaphore_mem>> -> memref<!tpu.dma_semaphore, #tpu.memory_space<semaphore_mem>>
    %dma_wait3A_490 = arith.constant 0 : i32
    %dma_wait3A_491 = tpu.memref_slice %arg4[%mul3A_2, %dma_wait3A_490] : memref<819200x64xf32, #tpu.memory_space<hbm>> -> memref<400x64xf32, #tpu.memory_space<hbm>>
    %dma_wait3A_492 = arith.constant 0 : i32
    %dma_wait3A_493 = arith.constant 0 : i32
    %dma_wait3A_494 = tpu.memref_slice %arg6[%dma_wait3A_480, %dma_wait3A_492, %dma_wait3A_493] : memref<4x400x64xf32, #tpu.memory_space<vmem>> -> memref<1x400x64xf32, #tpu.memory_space<vmem>>
    %dma_wait3A_495 = tpu.memref_squeeze %dma_wait3A_494 : memref<1x400x64xf32, #tpu.memory_space<vmem>> -> memref<400x64xf32, #tpu.memory_space<vmem>>
    tpu.wait_dma2 semaphore(%dma_wait3A_489 : memref<!tpu.dma_semaphore, #tpu.memory_space<semaphore_mem>>) src(%dma_wait3A_495 : memref<400x64xf32, #tpu.memory_space<vmem>>) dst(%dma_wait3A_491 : memref<400x64xf32, #tpu.memory_space<hbm>>)
    %dma_wait3A_496 = arith.constant 1 : i32
    %dma_wait3A_497 = arith.constant 1 : i32
    %dma_wait3A_498 = arith.constant 0 : i32
    %dma_wait3A_499 = arith.constant 0 : i32
    %dma_wait3A_500 = tpu.memref_slice %arg6[%dma_wait3A_496, %dma_wait3A_498, %dma_wait3A_499] : memref<4x400x64xf32, #tpu.memory_space<vmem>> -> memref<1x400x64xf32, #tpu.memory_space<vmem>>
    %dma_wait3A_501 = tpu.memref_squeeze %dma_wait3A_500 : memref<1x400x64xf32, #tpu.memory_space<vmem>> -> memref<400x64xf32, #tpu.memory_space<vmem>>
    %dma_wait3A_502 = arith.constant 0 : i32
    %dma_wait3A_503 = tpu.memref_slice %arg4[%mul3A_2, %dma_wait3A_502] : memref<819200x64xf32, #tpu.memory_space<hbm>> -> memref<400x64xf32, #tpu.memory_space<hbm>>
    %dma_wait3A_504 = tpu.memref_slice %arg8[%dma_wait3A_497] : memref<4x!tpu.dma_semaphore, #tpu.memory_space<semaphore_mem>> -> memref<1x!tpu.dma_semaphore, #tpu.memory_space<semaphore_mem>>
    %dma_wait3A_505 = tpu.memref_squeeze %dma_wait3A_504 : memref<1x!tpu.dma_semaphore, #tpu.memory_space<semaphore_mem>> -> memref<!tpu.dma_semaphore, #tpu.memory_space<semaphore_mem>>
    %dma_wait3A_506 = arith.constant 0 : i32
    %dma_wait3A_507 = tpu.memref_slice %arg4[%mul3A_2, %dma_wait3A_506] : memref<819200x64xf32, #tpu.memory_space<hbm>> -> memref<400x64xf32, #tpu.memory_space<hbm>>
    %dma_wait3A_508 = arith.constant 0 : i32
    %dma_wait3A_509 = arith.constant 0 : i32
    %dma_wait3A_510 = tpu.memref_slice %arg6[%dma_wait3A_496, %dma_wait3A_508, %dma_wait3A_509] : memref<4x400x64xf32, #tpu.memory_space<vmem>> -> memref<1x400x64xf32, #tpu.memory_space<vmem>>
    %dma_wait3A_511 = tpu.memref_squeeze %dma_wait3A_510 : memref<1x400x64xf32, #tpu.memory_space<vmem>> -> memref<400x64xf32, #tpu.memory_space<vmem>>
    tpu.wait_dma2 semaphore(%dma_wait3A_505 : memref<!tpu.dma_semaphore, #tpu.memory_space<semaphore_mem>>) src(%dma_wait3A_511 : memref<400x64xf32, #tpu.memory_space<vmem>>) dst(%dma_wait3A_507 : memref<400x64xf32, #tpu.memory_space<hbm>>)
    %dma_wait3A_512 = arith.constant 2 : i32
    %dma_wait3A_513 = arith.constant 2 : i32
    %dma_wait3A_514 = arith.constant 0 : i32
    %dma_wait3A_515 = arith.constant 0 : i32
    %dma_wait3A_516 = tpu.memref_slice %arg6[%dma_wait3A_512, %dma_wait3A_514, %dma_wait3A_515] : memref<4x400x64xf32, #tpu.memory_space<vmem>> -> memref<1x400x64xf32, #tpu.memory_space<vmem>>
    %dma_wait3A_517 = tpu.memref_squeeze %dma_wait3A_516 : memref<1x400x64xf32, #tpu.memory_space<vmem>> -> memref<400x64xf32, #tpu.memory_space<vmem>>
    %dma_wait3A_518 = arith.constant 0 : i32
    %dma_wait3A_519 = tpu.memref_slice %arg4[%mul3A_2, %dma_wait3A_518] : memref<819200x64xf32, #tpu.memory_space<hbm>> -> memref<400x64xf32, #tpu.memory_space<hbm>>
    %dma_wait3A_520 = tpu.memref_slice %arg8[%dma_wait3A_513] : memref<4x!tpu.dma_semaphore, #tpu.memory_space<semaphore_mem>> -> memref<1x!tpu.dma_semaphore, #tpu.memory_space<semaphore_mem>>
    %dma_wait3A_521 = tpu.memref_squeeze %dma_wait3A_520 : memref<1x!tpu.dma_semaphore, #tpu.memory_space<semaphore_mem>> -> memref<!tpu.dma_semaphore, #tpu.memory_space<semaphore_mem>>
    %dma_wait3A_522 = arith.constant 0 : i32
    %dma_wait3A_523 = tpu.memref_slice %arg4[%mul3A_2, %dma_wait3A_522] : memref<819200x64xf32, #tpu.memory_space<hbm>> -> memref<400x64xf32, #tpu.memory_space<hbm>>
    %dma_wait3A_524 = arith.constant 0 : i32
    %dma_wait3A_525 = arith.constant 0 : i32
    %dma_wait3A_526 = tpu.memref_slice %arg6[%dma_wait3A_512, %dma_wait3A_524, %dma_wait3A_525] : memref<4x400x64xf32, #tpu.memory_space<vmem>> -> memref<1x400x64xf32, #tpu.memory_space<vmem>>
    %dma_wait3A_527 = tpu.memref_squeeze %dma_wait3A_526 : memref<1x400x64xf32, #tpu.memory_space<vmem>> -> memref<400x64xf32, #tpu.memory_space<vmem>>
    tpu.wait_dma2 semaphore(%dma_wait3A_521 : memref<!tpu.dma_semaphore, #tpu.memory_space<semaphore_mem>>) src(%dma_wait3A_527 : memref<400x64xf32, #tpu.memory_space<vmem>>) dst(%dma_wait3A_523 : memref<400x64xf32, #tpu.memory_space<hbm>>)
    %dma_wait3A_528 = arith.constant 3 : i32
    %dma_wait3A_529 = arith.constant 3 : i32
    %dma_wait3A_530 = arith.constant 0 : i32
    %dma_wait3A_531 = arith.constant 0 : i32
    %dma_wait3A_532 = tpu.memref_slice %arg6[%dma_wait3A_528, %dma_wait3A_530, %dma_wait3A_531] : memref<4x400x64xf32, #tpu.memory_space<vmem>> -> memref<1x400x64xf32, #tpu.memory_space<vmem>>
    %dma_wait3A_533 = tpu.memref_squeeze %dma_wait3A_532 : memref<1x400x64xf32, #tpu.memory_space<vmem>> -> memref<400x64xf32, #tpu.memory_space<vmem>>
    %dma_wait3A_534 = arith.constant 0 : i32
    %dma_wait3A_535 = tpu.memref_slice %arg4[%mul3A_2, %dma_wait3A_534] : memref<819200x64xf32, #tpu.memory_space<hbm>> -> memref<400x64xf32, #tpu.memory_space<hbm>>
    %dma_wait3A_536 = tpu.memref_slice %arg8[%dma_wait3A_529] : memref<4x!tpu.dma_semaphore, #tpu.memory_space<semaphore_mem>> -> memref<1x!tpu.dma_semaphore, #tpu.memory_space<semaphore_mem>>
    %dma_wait3A_537 = tpu.memref_squeeze %dma_wait3A_536 : memref<1x!tpu.dma_semaphore, #tpu.memory_space<semaphore_mem>> -> memref<!tpu.dma_semaphore, #tpu.memory_space<semaphore_mem>>
    %dma_wait3A_538 = arith.constant 0 : i32
    %dma_wait3A_539 = tpu.memref_slice %arg4[%mul3A_2, %dma_wait3A_538] : memref<819200x64xf32, #tpu.memory_space<hbm>> -> memref<400x64xf32, #tpu.memory_space<hbm>>
    %dma_wait3A_540 = arith.constant 0 : i32
    %dma_wait3A_541 = arith.constant 0 : i32
    %dma_wait3A_542 = tpu.memref_slice %arg6[%dma_wait3A_528, %dma_wait3A_540, %dma_wait3A_541] : memref<4x400x64xf32, #tpu.memory_space<vmem>> -> memref<1x400x64xf32, #tpu.memory_space<vmem>>
    %dma_wait3A_543 = tpu.memref_squeeze %dma_wait3A_542 : memref<1x400x64xf32, #tpu.memory_space<vmem>> -> memref<400x64xf32, #tpu.memory_space<vmem>>
    tpu.wait_dma2 semaphore(%dma_wait3A_537 : memref<!tpu.dma_semaphore, #tpu.memory_space<semaphore_mem>>) src(%dma_wait3A_543 : memref<400x64xf32, #tpu.memory_space<vmem>>) dst(%dma_wait3A_539 : memref<400x64xf32, #tpu.memory_space<hbm>>)
    return
  }
}

</mosaic_0001>

<sc_bundles>
// kernel: kernel.3.cloned.1.call-start
scs
__scs_entry_jumppad:
0x0: {  	(pc) =	sbr.rel $0x88, $3  }
0x1: {  	(tag) =	ssettag $0x0;
	lr =	simm.s32 $0x1  }
0x2: {  	[smem:$0x3F9F] =	sst lr;
	_ =	strace $0xD0000000  }
0x3: {  	_ = 	snop  }
0x4: {  	_ = 	snop  }
0x5: {  	_ = 	snop  }
0x6: {  	_ = 	snop  }
0x7: {  	_ = 	snop  }
__scs_overlays_trampoline_lowered:
0x8: {  	[smem:$0x3FAE] =	sst s0  }
0x9: {  	[smem:$0x3FAF] =	sst s1  }
0xa: {  	[smem:$0x3FB0] =	sst s2  }
0xb: {  	[smem:$0x3FB1] =	sst s3  }
0xc: {  	[smem:$0x3FB2] =	sst s4  }
0xd: {  	[smem:$0x3FB3] =	sst s5  }
0xe: {  	[smem:$0x3FB4] =	sst s6  }
0xf: {  	[smem:$0x3FB5] =	sst s7  }
0x10: {  	[smem:$0x3FB6] =	sst s8  }
0x11: {  	[smem:$0x3FB7] =	sst s9;
	s0 =	simm.s32 @!p0 $0x0  }
0x12: {  	s1 =	sld [smem:$0x3F9D];
	s0 =	simm.s32 @p0 $0x1  }
0x13: {  	[smem:$0x3FB8] =	sst s0;
	s0 =	simm.s32 @!p1 $0x0  }
0x14: {  	s2 =	sld [smem:$0x3F9C];
	s0 =	simm.s32 @p1 $0x1  }
0x15: {  	[smem:$0x3FB9] =	sst s0;
	s0 =	simm.s32 @!p2 $0x0  }
0x16: {  	s3 =	sld [smem:$0x3FDB];
	s0 =	simm.s32 @p2 $0x1  }
0x17: {  	s4 =	simm.s32 $0x1BF5;
	[smem:$0x3FBB] =	sst s0  }
0x18: {  	s0 =	sld [smem:$0x3F9E];
	_ =	swait.ge [sflag:s4], $0x0  }
0x19: {  	s7 =	sld [smem:$0x3F9F]  }
0x1a: {  	s8 =	sadd.s32 $0xFFFFE003, lr  }
0x1b: {  	s9 =	sadd.s32 $0xFFFFFEF7, lr;
	s5 =	simm.s32 $0xFFFFFFFF;
	p2 =	slt.u32 s8, $0xFFFFF086  }
0x1c: {  	p1 =	slt.u32 s9, $0xF7A;
	s5 =	simm.s32 @!p2 $0x0  }
0x1d: {  	s5 =	simm.s32 @p1 $0x1;
	p0 =	seq.s32 s7, s2  }
0x1e: {  	s7 =	smul.u32 @!p0 $0xF7A, s2;
	p2 =	seq.s32 @!p0 s5, $0x0  }
0x1f: {  	s9 =	smul.u32 $0xF7A, s1;
	s8 =	simm.s32 @!p0 $0x1BF5;
	p2 =	por !p2, p0  }
0x20: {  	[sflag:s8] =	ssyncset.s32 @!p0 $0xFFFFF086;
	s6 =	sadd.s32 @!p0 s3, s7;
	s7 =	simm.s32 @!p0 $0x108  }
0x21: {  	s3 =	sadd.s32 s3, s9;
	s6 =	sadd.s32 @!p0 $0x88, s6;
	s7 =	simm.s32 @p2 $0x1082  }
0x22: {  	[simem:s7], [sflag:s8] =	dma.local @!p0 [hbm:s6], $0xF7A  }
0x23: {  	s9 =	sor.u32 $0xD0000000, s2;
	s6 =	simm.s32 $0x108;
	_ =	swait.ge @!p0 [sflag:s8], $0x0  }
0x24: {  	s3 =	sadd.s32 $0x88, s3;
	s6 =	simm.s32 @!p1 $0x1082;
	[sflag:s4] =	ssyncset.s32 $0xFFFFF086  }
0x25: {  	[simem:s6], [sflag:s4] =	dma.local [hbm:s3], $0xF7A  }
0x26: {  	[smem:$0x3F9F] =	sst s1;
	(tag) =	ssettag s2;
	_ =	strace s9  }
0x27: {  	s1 =	sld [smem:$0x3FAF]  }
0x28: {  	s2 =	sld [smem:$0x3FB0]  }
0x29: {  	s4 =	sld [smem:$0x3FB2]  }
0x2a: {  	p0 =	seq.s32 s5, $0x0;
	s5 =	sld [smem:$0x3FB3]  }
0x2b: {  	s6 =	sld [smem:$0x3FB4]  }
0x2c: {  	s7 =	sld [smem:$0x3FB5]  }
0x2d: {  	s3 =	simm.s32 $0x108;
	s8 =	sld [smem:$0x3FB6]  }
0x2e: {  	s3 =	simm.s32 @!p0 $0x1082;
	s9 =	sld [smem:$0x3FB7]  }
0x2f: {  	lr =	sadd.s32 s0, s3;
	s0 =	sld [smem:$0x3FAE]  }
0x30: {  	s3 =	sld [smem:$0x3FB1]  }
0x31: {  	[smem:$0x3FBA] =	sst s10  }
0x32: {  	s10 =	sld [smem:$0x3FB8];
	_ =	sdelay $0x3  }
0x33: {  	p0 =	seq.s32 s10, $0x1;
	s10 =	sld [smem:$0x3FBA];
	_ =	sdelay $0x3  }
0x34: {  	[smem:$0x3FBA] =	sst s10  }
0x35: {  	s10 =	sld [smem:$0x3FB9];
	_ =	sdelay $0x3  }
0x36: {  	p1 =	seq.s32 s10, $0x1;
	s10 =	sld [smem:$0x3FBA];
	_ =	sdelay $0x3  }
0x37: {  	[smem:$0x3FBA] =	sst s10  }
0x38: {  	s10 =	sld [smem:$0x3FBB]  }
0x39: {  	_ = 	snop;
	(pc) =	sbr.ind lr, $3  }
0x3a: {  	_ = 	snop  }
0x3b: {  	_ = 	snop  }
0x3c: {  	p2 =	seq.s32 s10, $0x1;
	s10 =	sld [smem:$0x3FBA]  }
0x3d: {  	_ =	shalt  }
0x3e: {  	_ =	shalt  }
0x3f: {  	_ =	shalt  }
0x40: {  	_ =	shalt  }
0x41: {  	_ =	shalt  }
0x42: {  	_ =	shalt  }
0x43: {  	_ =	shalt  }
0x44: {  	_ =	shalt  }
0x45: {  	_ =	shalt  }
0x46: {  	_ =	shalt  }
0x47: {  	_ =	shalt  }
0x48: {  	_ =	shalt  }
0x49: {  	_ =	shalt  }
0x4a: {  	_ =	shalt  }
0x4b: {  	_ =	shalt  }
0x4c: {  	_ =	shalt  }
0x4d: {  	_ =	shalt  }
0x4e: {  	_ =	shalt  }
0x4f: {  	_ =	shalt  }
0x50: {  	_ =	shalt  }
0x51: {  	_ =	shalt  }
0x52: {  	_ =	shalt  }
0x53: {  	_ =	shalt  }
0x54: {  	_ =	shalt  }
0x55: {  	_ =	shalt  }
0x56: {  	_ =	shalt  }
0x57: {  	_ =	shalt  }
0x58: {  	_ =	shalt  }
0x59: {  	_ =	shalt  }
0x5a: {  	_ =	shalt  }
0x5b: {  	_ =	shalt  }
0x5c: {  	_ =	shalt  }
0x5d: {  	_ =	shalt  }
0x5e: {  	_ =	shalt  }
0x5f: {  	_ =	shalt  }
0x60: {  	_ =	shalt  }
0x61: {  	_ =	shalt  }
0x62: {  	_ =	shalt  }
0x63: {  	_ =	shalt  }
0x64: {  	_ =	shalt  }
0x65: {  	_ =	shalt  }
0x66: {  	_ =	shalt  }
0x67: {  	_ =	shalt  }
0x68: {  	_ =	shalt  }
0x69: {  	_ =	shalt  }
0x6a: {  	_ =	shalt  }
0x6b: {  	_ =	shalt  }
0x6c: {  	_ =	shalt  }
0x6d: {  	_ =	shalt  }
0x6e: {  	_ =	shalt  }
0x6f: {  	_ =	shalt  }
0x70: {  	_ =	shalt  }
0x71: {  	_ =	shalt  }
0x72: {  	_ =	shalt  }
0x73: {  	_ =	shalt  }
0x74: {  	_ =	shalt  }
0x75: {  	_ =	shalt  }
0x76: {  	_ =	shalt  }
0x77: {  	_ =	shalt  }
0x78: {  	_ =	shalt  }
0x79: {  	_ =	shalt  }
0x7a: {  	_ =	shalt  }
0x7b: {  	_ =	shalt  }
0x7c: {  	_ =	shalt  }
0x7d: {  	_ =	shalt  }
0x7e: {  	_ =	shalt  }
0x7f: {  	_ =	shalt  }
0x80: {  	_ =	shalt  }
0x81: {  	_ =	shalt  }
0x82: {  	_ =	shalt  }
0x83: {  	_ =	shalt  }
0x84: {  	_ =	shalt  }
0x85: {  	_ =	shalt  }
0x86: {  	_ =	shalt  }
0x87: {  	_ =	shalt  }
.Lfunc_end0:
.L_simem_size_0:
called_computation.1_lowered:
.L_overlay_start_0:
0x88: {  	s2 =	sld [smem:$0x3FD9]  }
0x89: {  	s3 =	sld [smem:$0x3FFE];
	_ =	sdelay $0x1  }
0x8a: {  	s1 =	srdreg.scid  }
0x8b: {  	s0 =	sand.u32 $0x1, s1  }
0x8c: {  	s17 =	sshll.u32 s0, $0xA;
	s2 =	sadd.s32 s3, s2  }
0x8d: {  	s2 =	sadd.s32 s2, s17  }
0x8e: {  	[smem:$0x3FC6] =	sst s2  }
0x8f: {  	_ = 	snop  }
0x90: {  	s2 =	sld [smem:$0x3FD0];
	(tm) =	ssettm $0x1  }
0x91: {  	s18 =	sld [smem:$0x3FFB];
	_ =	sdelay $0x3  }
0x92: {  	_ =	strace s18  }
0x93: {  	s3 =	sld [smem:$0x3FFC];
	_ =	sdelay $0x3  }
0x94: {  	_ =	strace s3  }
0x95: {  	s3 =	sld [smem:$0x3FFD];
	_ =	sdelay $0x3  }
0x96: {  	_ =	strace s3  }
0x97: {  	_ =	strace $0x8FFFFFFF  }
0x98: {  	s19 =	sld [smem:$0x3FDB];
	_ =	sdelay $0x1  }
0x99: {  	s4 =	simm.s32 $_scs_section_size  }
0x9a: {  	s5 =	simm.s32 $_size__tile_overlayer_lowered;
	s6 =	simm.s32 $_tile_overlayer_lowered  }
0x9b: {  	s22 =	simm.s32 $0x1BFF;
	s21 =	sshll.u32 s6, $0x1;
	s3 =	sadd.s32 s4, s19  }
0x9c: {  	s7 =	simm.s32 $0x0;
	s20 =	sshll.u32 s5, $0x1;
	s5 =	sadd.s32 s21, s3  }
0x9d: {  	[timem:s7], [sflag:s22] =	dma.local [hbm:s5], s20  }
0x9e: {  	_ =	swait.ge [sflag:s22], s20  }
0x9f: {  	s4 =	ssub.s32 $0x0, s20;
	[sflag:s22] =	ssyncset.done $0x0  }
0xa0: {  	[sflag:s22] =	ssyncadd.s32 s4;
	_ =	sdelay $0x1  }
0xa1: {  	s23 =	simm.s32 $0x1B8B  }
0xa2: {  	_ =	swait.ge [sflag:s23], $0x1  }
0xa3: {  	[sflag:s23] =	ssyncset.done $0x0  }
0xa4: {  	s25 =	simm.s32 $0x1B8E;
	s24 =	sld [smem:$0x3FFE];
	[sflag:s23] =	ssyncadd.s32 $0xFFFFFFFF  }
0xa5: {  	s26 =	simm.s32 $execute0_lowered;
	[smem:$0x3FD2] =	sst s25  }
0xa6: {  	s5 =	sshll.u32 s26, $0x1;
	_ =	strace $0x80000046;
	[dreg:$0x1] =	wrdreg $0xFFFFFFFF  }
0xa7: {  	s28 =	simm.s32 $_size_execute0_lowered;
	s3 =	sadd.s32 s3, s5;
	[dreg:$0x0] =	wrdreg $0x0  }
0xa8: {  	s5 =	sshll.u32 s28, $0x1;
	[dreg:$0x2] =	wrdreg s3  }
0xa9: {  	[dreg:$0x3] =	wrdreg s5  }
0xaa: {  	[dreg:$0x4] =	wrdreg $0xC0  }
0xab: {  	_ =	task [dreg:s7], $0x5FFFF  }
0xac: {  	[dreg:$0x1] =	wrdreg $0xFFFFFFFF  }
0xad: {  	[dreg:$0x0] =	wrdreg $0x60  }
0xae: {  	[dreg:$0x2] =	wrdreg s24  }
0xaf: {  	[dreg:$0x3] =	wrdreg s2  }
0xb0: {  	[dreg:$0x4] =	wrdreg $0x9  }
0xb1: {  	_ =	task.clear_ibuf [dreg:s7], $0x5FFFF;
	_ =	strace $0x90000046  }
0xb2: {  	s29 =	simm.s32 $0x9;
	_ =	strace $0x80000048  }
0xb3: {  	_ =	swait.ge [sflag:s29], $0x1  }
0xb4: {  	[sflag:s29] =	ssyncadd.s32 $0xFFFFFFFF  }
0xb5: {  	_ =	strace $0x90000048  }
0xb6: {  	_ =	sfence  }
0xb7: {  	s30 =	sld [smem:$0x0];
	_ =	sdelay $0x2  }
0xb8: {  	s31 =	sshll.u32 s1, $0xD;
	s1 =	sshrl.u32 s1, $0x2  }
0xb9: {  	s3 =	sand.u32 $0x4000, s31;
	s1 =	sadd.s32 s1, s30  }
0xba: {  	s0 =	sor.u32 s3, s0;
	s1 =	sshll.u32 s1, $0x11  }
0xbb: {  	s0 =	sor.u32 s1, s0  }
0xbc: {  	s0 =	sadd.s32 $0x8F2B, s0  }
0xbd: {  	[sflag:s0] =	ssyncadd.remote.s32 $0x1  }
0xbe: {  	_ =	sfence.sel $0xFFFF  }
0xbf: {  	[dreg:$0x0] =	wrdreg $0xFFFFFFFF;
	(pc) =	sbr.abs _section_cstart, $3  }
0xc0: {  	[dreg:$0x1] =	wrdreg $0xFFFFFFFF  }
0xc1: {  	_ =	task.clear_ibuf [dreg:s7], $0x2FFFF;
	_ =	strace $0x9FFFFFFF  }
0xc2: {  	(tm) =	ssettm $0x7FFFFFFF  }
0xc3: {  	_ =	shalt  }
tec
execute0_lowered:
.L_overlay_start_1:
0x0: {  	(tag) =	ssettag $0x1  }
0x1: {  	s0 =	rddreg [dreg:$0x0];
	s1 =	srdreg.scid  }
0x2: {  	s9 =	stileid.u32;
	s5 =	rddreg [dreg:$0x1]  }
0x3: {  	s2 =	simm.s32 $0x0;
	s28 =	simm.s32 $0x19000;
	s29 =	simm.s32 $0x3  }
0x4: {  	s1 =	sand.u32 $0x1, s1;
	s3 =	sshll.u32 s9, $0x1;
	s9 =	smul.u32 $0xC800, s9  }
0x5: {  	s3 =	sor.u32 s1, s3;
	s17 =	ssub.s32 $0x2, s1;
	s1 =	smul.u32 $0x6400, s1  }
0x6: {  	s30 =	simm.s32 $0x5;
	[smem:$0x7FF] =	sst s2;
	s4 =	smul.u32 $0xC80, s3  }
0x7: {  	s31 =	simm.s32 $0x8;
	_ =	strace $0x80000047;
	s6 =	smul.u32 $0x32000, s3  }
0x8: {  	s8 =	smul.u32 $0x190000, s3;
	s3 =	sadd.s32 $0xF42E00, s0;
	s18 =	sshrl.u32 s17, $0x1  }
0x9: {  	s1 =	sadd.s32 s1, s9;
	s7 =	sadd.s32 s4, s0;
	s0 =	ssub.s32 s17, s18  }
0xa: {  	s4 =	sadd.s32 s5, s6;
	s21 =	sshrl.u32 s8, $0x3;
	s1 =	sshll.u32 s1, $0x3  }
0xb: {  	s18 =	simm.s32 $0x9;
	s19 =	sadd.s32 $0xA00, s7;
	s20 =	sadd.s32 $0xC80, s4  }
0xc: {  	s22 =	sadd.s32 $0x1900, s4;
	s6 =	sadd.s32 s5, s21;
	[dreg:$0x3] =	wrdreg s19  }
0xd: {  	s1 =	sadd.s32 s5, s1;
	s13 =	smax.u32 s0, $0x1;
	[dreg:$0x4] =	wrdreg s20  }
0xe: {  	s21 =	simm.s32 $0xC800;
	s0 =	simm.s32 $0x6;
	[dreg:$0x5] =	wrdreg s22  }
0xf: {  	s23 =	sadd.s32 $0x2580, s6;
	s24 =	sadd.s32 $0x2EE00, s6;
	s25 =	sadd.s32 $0x2FA80, s6  }
0x10: {  	s26 =	sadd.s32 $0x30700, s6;
	s12 =	sadd.s32 $0x31380, s6;
	s14 =	sadd.s32 $0x3E80, s1  }
0x11: {  	s15 =	sadd.s32 $0x5780, s1;
	s16 =	sadd.s32 $0x4B00, s1;
	[dreg:$0x6] =	wrdreg s23  }
0x12: {  	s17 =	sadd.s32 $0x3200, s1;
	s19 =	simm.s32 $0x190;
	[dreg:$0x7] =	wrdreg s24  }
0x13: {  	s20 =	simm.s32 $0x6400;
	s22 =	simm.s32 $0x1;
	[dreg:$0x8] =	wrdreg s25  }
0x14: {  	s1 =	simm.s32 $0x4;
	[dreg:$0x9] =	wrdreg s26;
	s24 =	simm.s32 $0x12C00  }
0x15: {  	s25 =	simm.s32 $0x2;
	s26 =	simm.s32 $0x7;
	s23 =	simm.s32 $0x0  }
.LBB2_1:
0x16: {  	s5 =	rddreg [dreg:$0x3]  }
0x17: {  	[tilespmem:s2], [sflag:$0x9] =	stream.linear.gather [hbm4b:s5+s2], $0x6400, $0x38;
	[tilespmem:$0x1F400] =	vst v63  }
0x18: {  	_ =	swait.ge [sflag:s18], $0x6400  }
0x19: {  	[sflag:s18] =	ssyncset.done $0x0  }
0x1a: {  	[sflag:s18] =	ssyncadd.s32 $0xFFFF9C00  }
0x1b: {  	[tilespmem:s20], [sflag:$0x1] =	stream.indirect.gather [hbm4b:s3+s19], $0x40, s2, s19, $0xb8;
	[tilespmem:$0x1F400] =	vst v63  }
0x1c: {  	_ = 	snop  }
0x1d: {  	[tilespmem:s21], [sflag:$0x2] =	stream.indirect.gather [hbm4b:s3+s19], $0x40, s19, s19, $0xb8;
	[tilespmem:$0x1F400] =	vst v63  }
0x1e: {  	_ =	swait.ge [sflag:s22], $0x6400  }
0x1f: {  	[sflag:s22] =	ssyncset.done $0x0  }
0x20: {  	[sflag:s22] =	ssyncadd.s32 $0xFFFF9C00  }
0x21: {  	[hbm4b:s4+s2] =	stream.linear.scatter [tilespmem:s20], [sflag:$0x5], $0x6400, $0x38;
	[tilespmem:$0x1F400] =	vst v63  }
0x22: {  	s8 =	simm.s32 $0x320  }
0x23: {  	[tilespmem:s24], [sflag:$0x3] =	stream.indirect.gather [hbm4b:s3+s19], $0x40, s8, s19, $0xb8;
	[tilespmem:$0x1F400] =	vst v63  }
0x24: {  	_ =	swait.ge [sflag:s25], $0x6400  }
0x25: {  	[sflag:s25] =	ssyncset.done $0x0  }
0x26: {  	s9 =	rddreg [dreg:$0x4];
	[sflag:s25] =	ssyncadd.s32 $0xFFFF9C00  }
0x27: {  	[hbm4b:s9+s2] =	stream.linear.scatter [tilespmem:s21], [sflag:$0x6], $0x6400, $0x38;
	[tilespmem:$0x1F400] =	vst v63  }
0x28: {  	s10 =	simm.s32 $0x4B0  }
0x29: {  	[tilespmem:s28], [sflag:$0x4] =	stream.indirect.gather [hbm4b:s3+s19], $0x40, s10, s19, $0xb8;
	[tilespmem:$0x1F400] =	vst v63  }
0x2a: {  	_ =	swait.ge [sflag:s29], $0x6400  }
0x2b: {  	[sflag:s29] =	ssyncset.done $0x0  }
0x2c: {  	s11 =	rddreg [dreg:$0x5];
	[sflag:s29] =	ssyncadd.s32 $0xFFFF9C00  }
0x2d: {  	[hbm4b:s11+s2] =	stream.linear.scatter [tilespmem:s24], [sflag:$0x7], $0x6400, $0x38;
	[tilespmem:$0x1F400] =	vst v63  }
0x2e: {  	_ =	swait.ge [sflag:s30], $0x6400  }
0x2f: {  	[sflag:s30] =	ssyncset.done $0x0  }
0x30: {  	s6 =	simm.s32 $0x640;
	[sflag:s30] =	ssyncadd.s32 $0xFFFF9C00  }
0x31: {  	[tilespmem:s20], [sflag:$0x1] =	stream.indirect.gather [hbm4b:s3+s19], $0x40, s6, s19, $0xb8;
	[tilespmem:$0x1F400] =	vst v63  }
0x32: {  	_ =	swait.ge [sflag:s1], $0x6400  }
0x33: {  	[sflag:s1] =	ssyncset.done $0x0  }
0x34: {  	s7 =	rddreg [dreg:$0x6];
	[sflag:s1] =	ssyncadd.s32 $0xFFFF9C00  }
0x35: {  	[hbm4b:s7+s2] =	stream.linear.scatter [tilespmem:s28], [sflag:$0x8], $0x6400, $0x38;
	[tilespmem:$0x1F400] =	vst v63  }
0x36: {  	_ =	swait.ge [sflag:s0], $0x6400  }
0x37: {  	[sflag:s0] =	ssyncset.done $0x0  }
0x38: {  	s8 =	simm.s32 $0x7D0;
	[sflag:s0] =	ssyncadd.s32 $0xFFFF9C00  }
0x39: {  	[tilespmem:s21], [sflag:$0x2] =	stream.indirect.gather [hbm4b:s3+s19], $0x40, s8, s19, $0xb8;
	[tilespmem:$0x1F400] =	vst v63  }
0x3a: {  	_ =	swait.ge [sflag:s22], $0x6400  }
0x3b: {  	[sflag:s22] =	ssyncset.done $0x0  }
0x3c: {  	[sflag:s22] =	ssyncadd.s32 $0xFFFF9C00  }
0x3d: {  	[hbm4b:s17+s2] =	stream.linear.scatter [tilespmem:s20], [sflag:$0x5], $0x6400, $0x38;
	[tilespmem:$0x1F400] =	vst v63  }
0x3e: {  	_ =	swait.ge [sflag:s26], $0x6400  }
0x3f: {  	[sflag:s26] =	ssyncset.done $0x0  }
0x40: {  	s9 =	simm.s32 $0x960;
	[sflag:s26] =	ssyncadd.s32 $0xFFFF9C00  }
0x41: {  	[tilespmem:s24], [sflag:$0x3] =	stream.indirect.gather [hbm4b:s3+s19], $0x40, s9, s19, $0xb8;
	[tilespmem:$0x1F400] =	vst v63  }
0x42: {  	_ =	swait.ge [sflag:s25], $0x6400  }
0x43: {  	[sflag:s25] =	ssyncset.done $0x0  }
0x44: {  	[sflag:s25] =	ssyncadd.s32 $0xFFFF9C00  }
0x45: {  	[hbm4b:s14+s2] =	stream.linear.scatter [tilespmem:s21], [sflag:$0x6], $0x6400, $0x38;
	[tilespmem:$0x1F400] =	vst v63  }
0x46: {  	_ =	swait.ge [sflag:s31], $0x6400  }
0x47: {  	[sflag:s31] =	ssyncset.done $0x0  }
0x48: {  	s10 =	simm.s32 $0xAF0;
	[sflag:s31] =	ssyncadd.s32 $0xFFFF9C00  }
0x49: {  	[tilespmem:s28], [sflag:$0x4] =	stream.indirect.gather [hbm4b:s3+s19], $0x40, s10, s19, $0xb8;
	[tilespmem:$0x1F400] =	vst v63  }
0x4a: {  	_ =	swait.ge [sflag:s29], $0x6400  }
0x4b: {  	[sflag:s29] =	ssyncset.done $0x0  }
0x4c: {  	[sflag:s29] =	ssyncadd.s32 $0xFFFF9C00  }
0x4d: {  	[hbm4b:s16+s2] =	stream.linear.scatter [tilespmem:s24], [sflag:$0x7], $0x6400, $0x38;
	[tilespmem:$0x1F400] =	vst v63  }
0x4e: {  	_ =	swait.ge [sflag:s30], $0x6400  }
0x4f: {  	[sflag:s30] =	ssyncset.done $0x0  }
0x50: {  	s11 =	simm.s32 $0xC80;
	[sflag:s30] =	ssyncadd.s32 $0xFFFF9C00  }
0x51: {  	[tilespmem:s20], [sflag:$0x1] =	stream.indirect.gather [hbm4b:s3+s19], $0x40, s11, s19, $0xb8;
	[tilespmem:$0x1F400] =	vst v63  }
0x52: {  	_ =	swait.ge [sflag:s1], $0x6400  }
0x53: {  	[sflag:s1] =	ssyncset.done $0x0  }
0x54: {  	[sflag:s1] =	ssyncadd.s32 $0xFFFF9C00  }
0x55: {  	[hbm4b:s15+s2] =	stream.linear.scatter [tilespmem:s28], [sflag:$0x8], $0x6400, $0x38;
	[tilespmem:$0x1F400] =	vst v63  }
0x56: {  	s5 =	simm.s32 $0x1900;
	s6 =	sadd.s32 $0x3200, s17;
	_ =	swait.ge [sflag:s0], $0x6400  }
0x57: {  	s7 =	sadd.s32 $0x3200, s15;
	s8 =	sadd.s32 $0x3200, s16;
	[sflag:s0] =	ssyncset.done $0x0  }
0x58: {  	s9 =	sadd.s32 $0x3200, s14;
	s10 =	simm.s32 $0xE10;
	[sflag:s0] =	ssyncadd.s32 $0xFFFF9C00  }
.LBB2_2:
0x59: {  	[tilespmem:s21], [sflag:$0x2] =	stream.indirect.gather [hbm4b:s3+s19], $0x40, s10, s19, $0xb8;
	[tilespmem:$0x1F400] =	vst v63  }
0x5a: {  	s10 =	smov.u32 s5  }
0x5b: {  	p0 =	sne.s32 s5, $0x14500;
	s5 =	sadd.s32 $0x1900, s5;
	_ =	swait.ge [sflag:s22], $0x6400  }
0x5c: {  	[sflag:s22] =	ssyncset.done $0x0  }
0x5d: {  	[sflag:s22] =	ssyncadd.s32 $0xFFFF9C00  }
0x5e: {  	[hbm4b:s6+s2] =	stream.linear.scatter [tilespmem:s20], [sflag:$0x5], $0x6400, $0x38;
	[tilespmem:$0x1F400] =	vst v63  }
0x5f: {  	_ =	swait.ge [sflag:s26], $0x6400  }
0x60: {  	s10 =	sshra.s32 s10, $0x2;
	[sflag:s26] =	ssyncset.done $0x0  }
0x61: {  	s11 =	sadd.s32 $0x960, s10;
	[sflag:s26] =	ssyncadd.s32 $0xFFFF9C00  }
0x62: {  	[tilespmem:s24], [sflag:$0x3] =	stream.indirect.gather [hbm4b:s3+s19], $0x40, s11, s19, $0xb8;
	[tilespmem:$0x1F400] =	vst v63  }
0x63: {  	_ =	swait.ge [sflag:s25], $0x6400  }
0x64: {  	[sflag:s25] =	ssyncset.done $0x0  }
0x65: {  	[sflag:s25] =	ssyncadd.s32 $0xFFFF9C00  }
0x66: {  	[hbm4b:s9+s2] =	stream.linear.scatter [tilespmem:s21], [sflag:$0x6], $0x6400, $0x38;
	[tilespmem:$0x1F400] =	vst v63  }
0x67: {  	_ =	swait.ge [sflag:s31], $0x6400  }
0x68: {  	[sflag:s31] =	ssyncset.done $0x0  }
0x69: {  	s11 =	sadd.s32 $0xAF0, s10;
	[sflag:s31] =	ssyncadd.s32 $0xFFFF9C00  }
0x6a: {  	[tilespmem:s28], [sflag:$0x4] =	stream.indirect.gather [hbm4b:s3+s19], $0x40, s11, s19, $0xb8;
	[tilespmem:$0x1F400] =	vst v63  }
0x6b: {  	_ =	swait.ge [sflag:s29], $0x6400  }
0x6c: {  	[sflag:s29] =	ssyncset.done $0x0  }
0x6d: {  	[sflag:s29] =	ssyncadd.s32 $0xFFFF9C00  }
0x6e: {  	[hbm4b:s8+s2] =	stream.linear.scatter [tilespmem:s24], [sflag:$0x7], $0x6400, $0x38;
	[tilespmem:$0x1F400] =	vst v63  }
0x6f: {  	_ =	swait.ge [sflag:s30], $0x6400  }
0x70: {  	[sflag:s30] =	ssyncset.done $0x0  }
0x71: {  	s11 =	sadd.s32 $0xC80, s10;
	[sflag:s30] =	ssyncadd.s32 $0xFFFF9C00  }
0x72: {  	[tilespmem:s20], [sflag:$0x1] =	stream.indirect.gather [hbm4b:s3+s19], $0x40, s11, s19, $0xb8;
	[tilespmem:$0x1F400] =	vst v63  }
0x73: {  	_ =	swait.ge [sflag:s1], $0x6400  }
0x74: {  	[sflag:s1] =	ssyncset.done $0x0  }
.Ltmp0:
0x75: {  	[sflag:s1] =	ssyncadd.s32 $0xFFFF9C00;
	(pc) =	sbr.rel @p0 .LBB2_2-.Ltmp0, $4  }
0x76: {  	[hbm4b:s7+s2] =	stream.linear.scatter [tilespmem:s28], [sflag:$0x8], $0x6400, $0x38;
	[tilespmem:$0x1F400] =	vst v63  }
0x77: {  	s6 =	sadd.s32 $0x3200, s6;
	_ =	swait.ge [sflag:s0], $0x6400  }
0x78: {  	s8 =	sadd.s32 $0x3200, s8;
	s7 =	sadd.s32 $0x3200, s7;
	[sflag:s0] =	ssyncset.done $0x0  }
0x79: {  	s9 =	sadd.s32 $0x3200, s9;
	s10 =	sadd.s32 $0xE10, s10;
	[sflag:s0] =	ssyncadd.s32 $0xFFFF9C00  }
0x7a: {  	[tilespmem:s21], [sflag:$0x2] =	stream.indirect.gather [hbm4b:s3+s19], $0x40, s10, s19, $0xb8;
	[tilespmem:$0x1F400] =	vst v63  }
0x7b: {  	_ =	swait.ge [sflag:s22], $0x6400  }
0x7c: {  	[sflag:s22] =	ssyncset.done $0x0  }
0x7d: {  	s5 =	rddreg [dreg:$0x7];
	[sflag:s22] =	ssyncadd.s32 $0xFFFF9C00  }
0x7e: {  	[hbm4b:s5+s2] =	stream.linear.scatter [tilespmem:s20], [sflag:$0x5], $0x6400, $0x38;
	[tilespmem:$0x1F400] =	vst v63  }
0x7f: {  	_ =	swait.ge [sflag:s26], $0x6400  }
0x80: {  	[sflag:s26] =	ssyncset.done $0x0  }
0x81: {  	s8 =	simm.s32 $0x60E0;
	[sflag:s26] =	ssyncadd.s32 $0xFFFF9C00  }
0x82: {  	[tilespmem:s24], [sflag:$0x3] =	stream.indirect.gather [hbm4b:s3+s19], $0x40, s8, s19, $0xb8;
	[tilespmem:$0x1F400] =	vst v63  }
0x83: {  	_ =	swait.ge [sflag:s25], $0x6400  }
0x84: {  	[sflag:s25] =	ssyncset.done $0x0  }
0x85: {  	s9 =	rddreg [dreg:$0x8];
	[sflag:s25] =	ssyncadd.s32 $0xFFFF9C00  }
0x86: {  	[hbm4b:s9+s2] =	stream.linear.scatter [tilespmem:s21], [sflag:$0x6], $0x6400, $0x38;
	[tilespmem:$0x1F400] =	vst v63  }
0x87: {  	_ =	swait.ge [sflag:s31], $0x6400  }
0x88: {  	[sflag:s31] =	ssyncset.done $0x0  }
0x89: {  	s10 =	simm.s32 $0x6270;
	[sflag:s31] =	ssyncadd.s32 $0xFFFF9C00  }
0x8a: {  	[tilespmem:s28], [sflag:$0x4] =	stream.indirect.gather [hbm4b:s3+s19], $0x40, s10, s19, $0xb8;
	[tilespmem:$0x1F400] =	vst v63  }
0x8b: {  	_ =	swait.ge [sflag:s29], $0x6400  }
0x8c: {  	[sflag:s29] =	ssyncset.done $0x0  }
0x8d: {  	s11 =	rddreg [dreg:$0x9];
	[sflag:s29] =	ssyncadd.s32 $0xFFFF9C00  }
0x8e: {  	[hbm4b:s11+s2] =	stream.linear.scatter [tilespmem:s24], [sflag:$0x7], $0x6400, $0x38;
	[tilespmem:$0x1F400] =	vst v63  }
0x8f: {  	_ =	swait.ge [sflag:s1], $0x6400  }
0x90: {  	[sflag:s1] =	ssyncset.done $0x0  }
0x91: {  	[sflag:s1] =	ssyncadd.s32 $0xFFFF9C00  }
0x92: {  	[hbm4b:s12+s2] =	stream.linear.scatter [tilespmem:s28], [sflag:$0x8], $0x6400, $0x38;
	[tilespmem:$0x1F400] =	vst v63  }
0x93: {  	_ =	swait.ge [sflag:s30], $0x6400  }
0x94: {  	[sflag:s30] =	ssyncset.done $0x0  }
0x95: {  	[sflag:s30] =	ssyncadd.s32 $0xFFFF9C00  }
0x96: {  	_ =	swait.ge [sflag:s0], $0x6400  }
0x97: {  	[sflag:s0] =	ssyncset.done $0x0  }
0x98: {  	s23 =	sadd.s32 $0x1, s23;
	[sflag:s0] =	ssyncadd.s32 $0xFFFF9C00  }
0x99: {  	p0 =	sne.s32 s23, s13;
	_ =	swait.ge [sflag:s26], $0x6400  }
.Ltmp1:
0x9a: {  	[sflag:s26] =	ssyncset.done $0x0;
	(pc) =	sbr.rel @p0 .LBB2_1-.Ltmp1, $4  }
0x9b: {  	[sflag:s26] =	ssyncadd.s32 $0xFFFF9C00  }
0x9c: {  	_ =	swait.ge [sflag:s31], $0x6400  }
0x9d: {  	[sflag:s31] =	ssyncset.done $0x0  }
0x9e: {  	[sflag:s31] =	ssyncadd.s32 $0xFFFF9C00  }
0x9f: {  	_ =	sfence.sel $0x180000  }
0xa0: {  	[bflag:$0x0] =	sbarrier.arrive $0xFFFF  }
0xa1: {  	_ =	strace $0x90000047  }
0xa2: {  	s0 =	stileid.u32;
	[bflag:$0x2] =	sbarrier.arrive $0xFFFF  }
0xa3: {  	p0 =	sne.s32 s0, $0x0;
	s0 =	rddreg [dreg:$0x2]  }
0xa4: {  	s0 =	sadd.s32 @!p0 $0x100000, s0  }
0xa5: {  	[sflag:s0] =	ssyncadd.tile.s32 @!p0 $0x1;
	_ =	shalt  }
.Lfunc_end2:
_tile_overlayer_lowered:
.L_overlay_start_2:
0xa6: {  	(tag) =	ssettag $0x2  }
0xa7: {  	s0 =	rddreg [dreg:$0x0];
	s2 =	stileid.u32  }
0xa8: {  	s1 =	rddreg [dreg:$0x1];
	p0 =	sne.s32 s2, $0x0  }
0xa9: {  	s3 =	rddreg [dreg:$0x2];
	[bflag:$0x3] =	sbarrier.arrive $0xFFFF;
	s2 =	simm.s32 @!p0 $0x1C09  }
0xaa: {  	[timem:s3], [sflag:s2] =	dma.local @!p0 [hbm:s0], s1  }
0xab: {  	s0 =	simm.s32 @!p0 $0x9  }
0xac: {  	_ =	swait.ge @!p0 [sflag:s0], s1  }
0xad: {  	s1 =	ssub.s32 @!p0 $0x0, s1;
	[sflag:s0] =	ssyncset.done @!p0 $0x0  }
0xae: {  	[sflag:s0] =	ssyncadd.s32 @!p0 s1  }
0xaf: {  	[bflag:$0x3] =	sbarrier.arrive $0xFFFF  }
0xb0: {  	_ =	shalt  }

// kernel: sparse-core-data-format-call.cloned.1.call-start
scs
called_computation_lowered:
.L_overlay_start_0:
0x0: {  	s2 =	sld [smem:$0x3FD9]  }
0x1: {  	s3 =	sld [smem:$0x3FFE];
	_ =	sdelay $0x1  }
0x2: {  	s1 =	srdreg.scid  }
0x3: {  	s0 =	sand.u32 $0x1, s1  }
0x4: {  	s18 =	sshll.u32 s0, $0xA;
	s2 =	sadd.s32 s3, s2  }
0x5: {  	s2 =	sadd.s32 s2, s18  }
0x6: {  	[smem:$0x3FC6] =	sst s2  }
0x7: {  	_ = 	snop  }
0x8: {  	s2 =	sld [smem:$0x3FD0];
	(tm) =	ssettm $0x1  }
0x9: {  	s19 =	sld [smem:$0x3FFB];
	_ =	sdelay $0x3  }
0xa: {  	_ =	strace s19  }
0xb: {  	s3 =	sld [smem:$0x3FFC];
	_ =	sdelay $0x3  }
0xc: {  	_ =	strace s3  }
0xd: {  	s3 =	sld [smem:$0x3FFD];
	_ =	sdelay $0x3  }
0xe: {  	_ =	strace s3  }
0xf: {  	_ =	strace $0x8FFFFFFF  }
0x10: {  	s20 =	sld [smem:$0x3FDB];
	_ =	sdelay $0x1  }
0x11: {  	s4 =	simm.s32 $_scs_section_size  }
0x12: {  	s5 =	simm.s32 $_size__tile_overlayer_lowered;
	s6 =	simm.s32 $_tile_overlayer_lowered  }
0x13: {  	s23 =	simm.s32 $0x1BFF;
	s22 =	sshll.u32 s6, $0x1;
	s3 =	sadd.s32 s4, s20  }
0x14: {  	s7 =	simm.s32 $0x0;
	s21 =	sshll.u32 s5, $0x1;
	s5 =	sadd.s32 s22, s3  }
0x15: {  	[timem:s7], [sflag:s23] =	dma.local [hbm:s5], s21  }
0x16: {  	_ =	swait.ge [sflag:s23], s21  }
0x17: {  	s4 =	ssub.s32 $0x0, s21;
	[sflag:s23] =	ssyncset.done $0x0  }
0x18: {  	[sflag:s23] =	ssyncadd.s32 s4;
	_ =	sdelay $0x1  }
0x19: {  	s24 =	simm.s32 $0x1B8B  }
0x1a: {  	_ =	swait.ge [sflag:s24], $0x1  }
0x1b: {  	[sflag:s24] =	ssyncset.done $0x0  }
0x1c: {  	s26 =	simm.s32 $0x1B8E;
	s25 =	sld [smem:$0x3FFE];
	[sflag:s24] =	ssyncadd.s32 $0xFFFFFFFF  }
0x1d: {  	s27 =	simm.s32 $execute0_lowered;
	[smem:$0x3FD2] =	sst s26  }
0x1e: {  	s5 =	sshll.u32 s27, $0x1;
	_ =	strace $0x80000049;
	[dreg:$0x1] =	wrdreg $0xFFFFFFFF  }
0x1f: {  	s28 =	simm.s32 $_size_execute0_lowered;
	s3 =	sadd.s32 s3, s5;
	[dreg:$0x0] =	wrdreg $0x0  }
0x20: {  	s5 =	sshll.u32 s28, $0x1;
	[dreg:$0x2] =	wrdreg s3  }
0x21: {  	[dreg:$0x3] =	wrdreg s5  }
0x22: {  	[dreg:$0x4] =	wrdreg $0xC0  }
0x23: {  	_ =	task [dreg:s7], $0x5FFFF  }
0x24: {  	[dreg:$0x1] =	wrdreg $0xFFFFFFFF  }
0x25: {  	[dreg:$0x0] =	wrdreg $0x60  }
0x26: {  	[dreg:$0x2] =	wrdreg s25  }
0x27: {  	[dreg:$0x3] =	wrdreg s2  }
0x28: {  	[dreg:$0x4] =	wrdreg $0x9  }
0x29: {  	_ =	task.clear_ibuf [dreg:s7], $0x5FFFF;
	_ =	strace $0x90000049  }
0x2a: {  	s29 =	simm.s32 $0x9;
	_ =	strace $0x8000004B  }
0x2b: {  	_ =	swait.ge [sflag:s29], $0x1  }
0x2c: {  	[sflag:s29] =	ssyncadd.s32 $0xFFFFFFFF  }
0x2d: {  	_ =	strace $0x9000004B  }
0x2e: {  	_ =	sfence  }
0x2f: {  	s30 =	sld [smem:$0x0];
	_ =	sdelay $0x2  }
0x30: {  	s31 =	sshll.u32 s1, $0xD;
	s1 =	sshrl.u32 s1, $0x2  }
0x31: {  	s3 =	sand.u32 $0x4000, s31;
	s1 =	sadd.s32 s1, s30  }
0x32: {  	s0 =	sor.u32 s3, s0;
	s1 =	sshll.u32 s1, $0x11  }
0x33: {  	s0 =	sor.u32 s1, s0  }
0x34: {  	s0 =	sadd.s32 $0x8F2B, s0  }
0x35: {  	[sflag:s0] =	ssyncadd.remote.s32 $0x1  }
0x36: {  	_ =	sfence.sel $0xFFFF  }
0x37: {  	[dreg:$0x0] =	wrdreg $0xFFFFFFFF;
	(pc) =	sbr.abs _section_cstart, $3  }
0x38: {  	[dreg:$0x1] =	wrdreg $0xFFFFFFFF  }
0x39: {  	_ =	task.clear_ibuf [dreg:s7], $0x2FFFF;
	_ =	strace $0x9FFFFFFF  }
0x3a: {  	(tm) =	ssettm $0x7FFFFFFF  }
0x3b: {  	_ =	shalt  }
tec
execute0_lowered:
.L_overlay_start_1:
0x0: {  	(tag) =	ssettag $0x1  }
0x1: {  	s0 =	srdreg.scid  }
0x2: {  	s1 =	sshll.u32 s0, $0x4  }
0x3: {  	s0 =	stileid.u32;
	s1 =	sand.u32 $0x10, s1  }
0x4: {  	s1 =	sor.u32 s0, s1  }
0x5: {  	s6 =	rddreg [dreg:$0x0];
	s4 =	simm.s32 $0x1;
	s2 =	sshll.u32 s1, $0x7  }
0x6: {  	s7 =	simm.s32 $0x2;
	s12 =	simm.s32 $0x0;
	s1 =	ssub.s32 $0x4000, s2  }
0x7: {  	s8 =	simm.s32 $0x20000;
	s13 =	simm.s32 $0x0;
	s3 =	sand.u32 $0xF80, s1  }
0x8: {  	s9 =	simm.s32 $0x0;
	s5 =	sshrl.u32 s1, $0xC;
	p0 =	sne.s32 s3, $0x0  }
.Ltmp0:
0x9: {  	s1 =	rddreg [dreg:$0x2];
	s4 =	simm.s32 @!p0 $0x0;
	(pc) =	sbr.rel .LBB1_1-.Ltmp0, $4  }
0xa: {  	s11 =	simm.s32 $0x0;
	s3 =	rddreg [dreg:$0x1];
	s5 =	sadd.s32 s4, s5  }
0xb: {  	_ =	strace $0x8000004A;
	s4 =	simm.s32 $0x1;
	s5 =	smul.u32 $0x32, s5  }
0xc: {  	s6 =	sadd.s32 $0xA00, s6;
	s10 =	smov.u32 s2;
	[sflag:s4] =	ssyncpa.u1 $0x0  }
0xd: {  	p0 =	por $0x0, $0x0;
	[sflag:s7] =	ssyncpa.u1 $0x0;
	s7 =	sor.u32 $0x1, s5  }
.LBB1_4:
0xe: {  	s16 =	sshll.u32 s13, $0x3;
	s17 =	sand.u32 $0x78, s13  }
0xf: {  	s30 =	sand.u32 $0x1F800, s13;
	s12 =	sshll.u32 s12, $0x11;
	s16 =	sand.u32 $0x3C00, s16  }
0x10: {  	[tilespmem:s15+$0x810 ss:$0x81] =	vst.msk $0xffff, v2;
	s31 =	sand.u32 $0x7, s13;
	s16 =	sor.u32 s17, s16;
	s17 =	sadd.s32 s3, s30  }
0x11: {  	[tilespmem:s15+$0x1020 ss:$0x81] =	vst.msk $0xffff, v0;
	s13 =	sshll.u32 s31, $0x12;
	s12 =	sadd.s32 s12, s17;
	s16 =	sshrl.u32 s16, $0x3  }
0x12: {  	[tilespmem:s15+$0x0 ss:$0x81] =	vst.msk $0xffff, v1;
	s13 =	sor.u32 $0x400, s13;
	s12 =	sadd.s32 s16, s12  }
0x13: {  	[hbm4b:s12+s13] =	stream.strided.scatter [tilespmem:s14], [sflag:$0x2], $0x2000, s8, s13, $0x20;
	[tilespmem:$0x8080] =	vst v63  }
.LBB1_5:
0x14: {  	s14 =	sadd.s32 $0x1, s9  }
0x15: {  	s12 =	sadd.s32 $0x1000, s10;
	s16 =	smov.u32 s10;
	p2 =	sgt.s32 s14, $0x31  }
0x16: {  	s16 =	smov.u32 @p2 s12  }
0x17: {  	s14 =	simm.s32 @p2 $0x0;
	p2 =	sgt.s32 s16, $0x3FFF  }
0x18: {  	s16 =	smov.u32 @p2 s2;
	p2 =	sne.s32 s11, s7  }
.Ltmp1:
0x19: {  	p1 =	slt.u32 s11, $0x2;
	(pc) =	sbr.rel @!p2 .LBB1_6-.Ltmp1, $4  }
0x1a: {  	s15 =	simm.s32 @!p1 $0x2  }
0x1b: {  	s13 =	smov.u32 s10;
	p0 =	por !p0, !p0;
	_ =	swait.ge @!p1 [sflag:s15], $0x2000  }
0x1c: {  	s12 =	smov.u32 s9;
	[sflag:s15] =	ssyncset.done @!p1 $0x0;
	s9 =	smov.u32 s14  }
0x1d: {  	s11 =	sadd.s32 $0x1, s11;
	[sflag:s15] =	ssyncadd.s32 @!p1 $0xFFFFE000;
	s10 =	smov.u32 s16  }
.LBB1_1:
0x1e: {  	p1 =	sge.u32 s11, s5  }
0x1f: {  	s14 =	sand.u32 @!p1 $0x1FFFFFF, s9  }
0x20: {  	s15 =	smulhi.u32 @!p1 $0x4924925, s14;
	_ =	sdelay $0x1  }
0x21: {  	s15 =	smul.u32 @!p1 $0x38, s15  }
0x22: {  	s16 =	sxor.u32 @!p1 $0xFFFFFFFF, s11;
	s17 =	smul.u32 @!p1 $0x380, s10  }
0x23: {  	s31 =	sadd.s32 $0xFFFFFFFF, s11;
	s16 =	sshll.u32 @!p1 s16, $0xD;
	s14 =	ssub.s32 @!p1 s14, s15  }
0x24: {  	s15 =	sand.u32 @!p1 $0x2000, s16;
	s16 =	sadd.s32 @!p1 s6, s17;
	s14 =	sshll.u32 @!p1 s14, $0x4  }
0x25: {  	s17 =	simm.s32 @!p1 $0x1C00;
	s14 =	sadd.s32 @!p1 s14, s16;
	s16 =	simm.s32 @!p1 $0x40  }
0x26: {  	[tilespmem:s15], [sflag:$0x1] =	stream.strided.gather @!p1 [hbm4b:s14+s16], $0x2000, s17, s16, $0x38;
	[tilespmem:$0x8080] =	vst v63  }
0x27: {  	p1 =	sge.u32 s31, s5  }
.Ltmp2:
0x28: {  	_ = 	snop;
	(pc) =	sbr.rel @p1 .LBB1_5-.Ltmp2, $1  }
0x29: {  	_ =	sdelay $0x3  }
0x2a: {  	s14 =	simm.s32 $0x1  }
0x2b: {  	_ =	swait.ge [sflag:s4], $0x2000;
	s14 =	simm.s32 @!p0 $0x0  }
0x2c: {  	[sflag:s4] =	ssyncset.done $0x0;
	s15 =	sshll.u32 s14, $0xD  }
0x2d: {  	[sflag:s4] =	ssyncadd.s32 $0xFFFFE000;
	s18 =	sor.u32 $0x20, s15  }
0x2e: {  	s14 =	smul.u32 $0x8100, s14;
	v3 =	vld [tilespmem:s18+$0x10]  }
0x2f: {  	s30 =	sand.u32 $0x1, s11;
	v2 =	vld [tilespmem:s18+$0xFFFFFFF0]  }
0x30: {  	s15 =	smul.u32 $0x8100, s30;
	s14 =	sshrl.u32 s14, $0x2;
	v0 =	vld [tilespmem:s18+$0x0]  }
0x31: {  	v1 =	vld [tilespmem:s18+$0xFFFFFFE0];
	s16 =	sor.u32 $0x4000, s14  }
0x32: {  	s31 =	sshrl.u32 s15, $0x2;
	s15 =	sadd.s32 $0x0, s16  }
0x33: {  	s17 =	simm.s32 $0x4;
	s18 =	sadd.s32 $0x40, s18;
	s14 =	sor.u32 $0x4000, s31;
	[tilespmem:s15+$0x1830 ss:$0x81] =	vst.msk $0xffff, v3  }
.LBB1_3:
0x34: {  	v3 =	vld [tilespmem:s18+$0x10];
	p1 =	sne.s32 s17, $0x1FC;
	[tilespmem:s15+$0x810 ss:$0x81] =	vst.msk $0xffff, v2;
	s19 =	smov.u32 s17;
	s17 =	sadd.s32 $0x4, s17  }
.Ltmp3:
0x35: {  	v2 =	vld [tilespmem:s18+$0xFFFFFFF0];
	[tilespmem:s15+$0x1020 ss:$0x81] =	vst.msk $0xffff, v0;
	(pc) =	sbr.rel @p1 .LBB1_3-.Ltmp3, $4  }
0x36: {  	v0 =	vld [tilespmem:s18+$0x0];
	[tilespmem:s15+$0x0 ss:$0x81] =	vst.msk $0xffff, v1  }
0x37: {  	s15 =	sshra.s32 s19, $0x2;
	v1 =	vld [tilespmem:s18+$0xFFFFFFE0]  }
0x38: {  	s15 =	sadd.s32 s15, s16  }
0x39: {  	s18 =	sadd.s32 $0x40, s18;
	[tilespmem:s15+$0x1830 ss:$0x81] =	vst.msk $0xffff, v3  }
.Ltmp4:
0x3a: {  	_ = 	snop;
	(pc) =	sbr.rel .LBB1_4-.Ltmp4, $1  }
0x3b: {  	_ =	sdelay $0x3  }
.LBB1_6:
0x3c: {  	_ =	sfence.sel $0x180000  }
0x3d: {  	s2 =	simm.s32 $0x1;
	[bflag:$0x0] =	sbarrier.arrive $0xFFFF  }
0x3e: {  	s31 =	simm.s32 $0x2;
	[sflag:s2] =	ssyncpa.u1 $0x1  }
0x3f: {  	[sflag:s31] =	ssyncpa.u1 $0x1  }
0x40: {  	p0 =	sne.s32 s0, $0x0;
	_ =	strace $0x9000004A  }
0x41: {  	s0 =	sadd.s32 @!p0 $0x100000, s1;
	[bflag:$0x2] =	sbarrier.arrive $0xFFFF  }
0x42: {  	[sflag:s0] =	ssyncadd.tile.s32 @!p0 $0x1;
	_ =	shalt  }
.Lfunc_end1:
_tile_overlayer_lowered:
.L_overlay_start_2:
0x43: {  	(tag) =	ssettag $0x2  }
0x44: {  	s0 =	rddreg [dreg:$0x0];
	s2 =	stileid.u32  }
0x45: {  	s1 =	rddreg [dreg:$0x1];
	p0 =	sne.s32 s2, $0x0  }
0x46: {  	s3 =	rddreg [dreg:$0x2];
	[bflag:$0x3] =	sbarrier.arrive $0xFFFF;
	s2 =	simm.s32 @!p0 $0x1C01  }
0x47: {  	[timem:s3], [sflag:s2] =	dma.local @!p0 [hbm:s0], s1  }
0x48: {  	s0 =	simm.s32 @!p0 $0x1  }
0x49: {  	_ =	swait.ge @!p0 [sflag:s0], s1  }
0x4a: {  	s1 =	ssub.s32 @!p0 $0x0, s1;
	[sflag:s0] =	ssyncset.done @!p0 $0x0  }
0x4b: {  	[sflag:s0] =	ssyncadd.s32 @!p0 s1  }
0x4c: {  	[bflag:$0x3] =	sbarrier.arrive $0xFFFF  }
0x4d: {  	_ =	shalt  }

</sc_bundles>
